<compile_context>
chip_gen: v7x
topology: tpu7x:2x2x1
jax: 0.10.2.dev20260603
libtpu: 0.0.44.dev20260713+nightly
codegen_flags: <defaults>
</compile_context>

<pallas_src>
import functools

import jax
import jax.numpy as jnp
from jax import lax
from jax.experimental import pallas as pl
from jax.experimental.pallas import tpu as pltpu
from jax.experimental.pallas import tpu_sc as plsc

N_ROWS = 100000
N_FEAT = 128
N_SEG = 512

R_SC = 65280
R_TC = N_ROWS - R_SC

NC = 2
NS = 16
COLS = N_FEAT // NC
SEG_PER_TILE = N_SEG // NS
CHUNK = 128
NBUF = 4
PER_TILE = R_SC // NS
NFULL = PER_TILE // CHUNK
REM = PER_TILE - NFULL * CHUNK

BLK = 2048
NBLK = -(-R_TC // BLK)
R_TC_PAD = NBLK * BLK

_mesh = plsc.VectorSubcoreMesh(core_axis_name="c", subcore_axis_name="s")


@functools.partial(
    pl.kernel,
    out_type=jax.ShapeDtypeStruct((N_SEG, N_FEAT), jnp.float32),
    mesh=_mesh,
    scratch_types=[
        pltpu.VMEM_SHARED((N_SEG, COLS), jnp.float32),
        pltpu.VMEM((NBUF, CHUNK, COLS), jnp.float32),
        pltpu.VMEM((NBUF, CHUNK), jnp.int32),
    ] + [pltpu.SemaphoreType.DMA] * (2 * NBUF),
    compiler_params=pltpu.CompilerParams(use_tc_tiling_on_sc=False),
)
def _sc_segment_sum(x_hbm, b_hbm, out_hbm, acc, xbuf, idxbuf, *sems):
    semx = sems[0:NBUF]
    semi = sems[NBUF:2 * NBUF]
    c = lax.axis_index("c")
    s = lax.axis_index("s")
    col0 = c * COLS
    base = R_TC + s * PER_TILE

    zvec = jnp.zeros((16,), jnp.float32)
    def _zrow(i, carry):
        for q in range(COLS // 16):
            xbuf[0, i, 16 * q:16 * q + 16] = zvec
        return carry
    lax.fori_loop(0, CHUNK, _zrow, 0)
    zidx = jnp.zeros((16,), jnp.int32)
    for q in range(CHUNK // 16):
        idxbuf[0, 16 * q:16 * q + 16] = zidx

    pltpu.sync_copy(xbuf.at[0, pl.ds(0, SEG_PER_TILE)],
                    acc.at[pl.ds(s * SEG_PER_TILE, SEG_PER_TILE)])
    plsc.subcore_barrier()

    def load_descs(jj, b):
        start = base + jj * CHUNK
        return (
            pltpu.make_async_copy(b_hbm.at[pl.ds(start, CHUNK)],
                                  idxbuf.at[b], semi[b]),
            pltpu.make_async_copy(
                x_hbm.at[pl.ds(start, CHUNK), pl.ds(col0, COLS)],
                xbuf.at[b], semx[b]),
        )

    def scatter(b):
        pltpu.sync_copy(xbuf.at[b], acc.at[idxbuf.at[b]], add=True)

    rem_start = base + NFULL * CHUNK
    pltpu.sync_copy(b_hbm.at[pl.ds(rem_start, REM)],
                    idxbuf.at[0, pl.ds(0, REM)])
    pltpu.sync_copy(x_hbm.at[pl.ds(rem_start, REM), pl.ds(col0, COLS)],
                    xbuf.at[0, pl.ds(0, REM)])
    pltpu.sync_copy(xbuf.at[0], acc.at[idxbuf.at[0]], add=True)

    for b in range(NBUF - 1):
        for d in load_descs(b, b):
            d.start()

    def step(jj, b):
        for d in load_descs(jj, b):
            d.wait()
        scatter(b)

        @pl.when(jj + NBUF - 1 < NFULL)
        def _():
            for d in load_descs(jj + NBUF - 1, (b + NBUF - 1) % NBUF):
                d.start()

    def pipe(j, carry):
        for b in range(NBUF):
            step(NBUF * j + b, b)
        return carry
    lax.fori_loop(0, NFULL // NBUF, pipe, 0)
    for jj in range(NFULL - NFULL % NBUF, NFULL):
        step(jj, jj % NBUF)

    plsc.subcore_barrier()
    pltpu.sync_copy(acc.at[pl.ds(s * SEG_PER_TILE, SEG_PER_TILE)],
                    out_hbm.at[pl.ds(s * SEG_PER_TILE, SEG_PER_TILE),
                               pl.ds(col0, COLS)])


def _tc_body(bid_ref, x_ref, out_ref):
    pid = pl.program_id(0)
    ids = bid_ref[0, 0, :]
    one_hot = (ids[:, None]
               == lax.broadcasted_iota(jnp.int32, (BLK, N_SEG), 1)
               ).astype(jnp.float32)
    part = lax.dot_general(one_hot, x_ref[...], (((0,), (0,)), ((), ())),
                           preferred_element_type=jnp.float32)

    @pl.when(pid == 0)
    def _():
        out_ref[...] = part

    @pl.when(pid != 0)
    def _():
        out_ref[...] = out_ref[...] + part


_tc_call = pl.pallas_call(
    _tc_body,
    grid=(NBLK,),
    in_specs=[pl.BlockSpec((1, 1, BLK), lambda j: (j, 0, 0)),
              pl.BlockSpec((BLK, N_FEAT), lambda j: (j, 0))],
    out_specs=pl.BlockSpec((N_SEG, N_FEAT), lambda j: (0, 0)),
    out_shape=jax.ShapeDtypeStruct((N_SEG, N_FEAT), jnp.float32),
)


def _add_body(a_ref, b_ref, o_ref):
    o_ref[...] = a_ref[...] + b_ref[...]


_add_call = pl.pallas_call(
    _add_body,
    out_shape=jax.ShapeDtypeStruct((N_SEG, N_FEAT), jnp.float32),
)


def kernel(x, batch):
    batch32 = batch.astype(jnp.int32)
    out_sc = _sc_segment_sum(x, batch32)
    ids_tc = jnp.concatenate(
        [batch32[:R_TC],
         jnp.full((R_TC_PAD - R_TC,), -1, jnp.int32)]).reshape(NBLK, 1, BLK)
    out_tc = _tc_call(ids_tc, x)
    return _add_call(out_sc, out_tc)

# --- scband reference (transcript-rebuilt; emitter-appended) ---
"""Pipeline reference for scband-phmglobal-sum-pooling-21638045237596 (READ-ONLY COPY).

The authoritative reference and input builder live on the scoring server;
editing this copy changes nothing except your own understanding.
"""

import jax, jax.numpy as jnp
import numpy as np

NUM_SEGMENTS = 512

def setup_inputs(seed: int = 0) -> dict:
    key = jax.random.key(seed)
    k1, k2 = jax.random.split(key)
    x = jax.random.normal(k1, (100000, 128), dtype=jnp.float32)
    batch = jnp.sort(jax.random.randint(k2, (100000,), 0, NUM_SEGMENTS)).astype(jnp.int64)
    return {"x": x, "batch": batch}

def reference(x, batch):
    # PHMGlobalSumPooling.__call__ -> global_add_pool(x, batch):
    # sum node features per graph id (segment sum over dim 0).
    return jax.ops.segment_sum(x, batch, num_segments=NUM_SEGMENTS)

if __name__ == "__main__":
    import jax
    _d = setup_inputs()
    print(jax.jit(kernel)(*tuple(_d.values())))

</pallas_src>

<mosaic_0001>
#map = affine_map<(d0, d1) -> (0, 0)>
#map1 = affine_map<(d0, d1) -> (0)>
module attributes {stable_mosaic.version = 14 : i64} {
  func.func @_sc_segment_sum(%arg0: i32, %arg1: i32, %arg2: memref<100000x128xf32, #tpu.memory_space<hbm>>, %arg3: memref<100000xi32, #tpu.memory_space<hbm>>, %arg4: memref<512x128xf32, #tpu.memory_space<hbm>>, %arg5: memref<512x64xf32, #tpu.memory_space<vmem_shared>>, %arg6: memref<4x128x64xf32, #tpu.memory_space<vmem>>, %arg7: memref<4x128xi32, #tpu.memory_space<vmem>>, %arg8: memref<!tpu.dma_semaphore, #tpu.memory_space<semaphore_mem>>, %arg9: memref<!tpu.dma_semaphore, #tpu.memory_space<semaphore_mem>>, %arg10: memref<!tpu.dma_semaphore, #tpu.memory_space<semaphore_mem>>, %arg11: memref<!tpu.dma_semaphore, #tpu.memory_space<semaphore_mem>>, %arg12: memref<!tpu.dma_semaphore, #tpu.memory_space<semaphore_mem>>, %arg13: memref<!tpu.dma_semaphore, #tpu.memory_space<semaphore_mem>>, %arg14: memref<!tpu.dma_semaphore, #tpu.memory_space<semaphore_mem>>, %arg15: memref<!tpu.dma_semaphore, #tpu.memory_space<semaphore_mem>>) attributes {dimension_semantics = [#tpu.dimension_semantics<core_parallel>, #tpu.dimension_semantics<subcore_parallel>], iteration_bounds = array<i64: 2, 16>, scalar_prefetch = 0 : i64, scratch_operands = 11 : i64, tpu.core_type = #tpu.core_type<sc_vector_subcore>, window_params = [{transform_indices = #map}, {transform_indices = #map1}, {transform_indices = #map}]} {
    %mul3A = arith.constant 64 : i32
    %mul3A_0 = arith.muli %arg0, %mul3A : i32
    %mul3A_1 = arith.constant 4080 : i32
    %mul3A_2 = arith.muli %arg1, %mul3A_1 : i32
    %add3A = arith.constant 34720 : i32
    %add3A_3 = arith.addi %add3A, %mul3A_2 : i32
    %broadcast_in_dim3A = arith.constant 0.000000e+00 : f32
    %broadcast_in_dim3A_4 = vector.broadcast %broadcast_in_dim3A : f32 to vector<16xf32>
    %scan3A = arith.constant 0 : i32
    %scan3A_5 = arith.constant 0 : i32
    %scan3A_6 = arith.constant 128 : i32
    %scan3A_7 = arith.addi %scan3A_5, %scan3A_6 : i32
    %scan3A_8 = arith.constant 1 : i32
    scf.for %scan3A_214 = %scan3A_5 to %scan3A_7 step %scan3A_8  : i32 {
      %swap3A_215 = arith.constant 0 : i32
      %swap3A_216 = arith.index_cast %swap3A_215 : i32 to index
      %swap3A_217 = arith.index_cast %scan3A_214 : i32 to index
      %swap3A_218 = arith.constant 0 : index
      %swap3A_219 = tpu.vector_load %arg6[%swap3A_216, %swap3A_217, %swap3A_218] {strides = array<i32>} : memref<4x128x64xf32, #tpu.memory_space<vmem>>, vector<1x1x16xf32>,
      %swap3A_220 = vector.shape_cast %swap3A_219 : vector<1x1x16xf32> to vector<16xf32>
      %swap3A_221 = vector.shape_cast %broadcast_in_dim3A_4 : vector<16xf32> to vector<1x1x16xf32>
      tpu.vector_store %arg6[%swap3A_216, %swap3A_217, %swap3A_218], %swap3A_221 {strides = array<i32>} : memref<4x128x64xf32, #tpu.memory_space<vmem>>, vector<1x1x16xf32>,
      %swap3A_222 = arith.constant 0 : i32
      %swap3A_223 = arith.index_cast %swap3A_222 : i32 to index
      %swap3A_224 = arith.index_cast %scan3A_214 : i32 to index
      %swap3A_225 = arith.constant 16 : index
      %swap3A_226 = tpu.vector_load %arg6[%swap3A_223, %swap3A_224, %swap3A_225] {strides = array<i32>} : memref<4x128x64xf32, #tpu.memory_space<vmem>>, vector<1x1x16xf32>,
      %swap3A_227 = vector.shape_cast %swap3A_226 : vector<1x1x16xf32> to vector<16xf32>
      %swap3A_228 = vector.shape_cast %broadcast_in_dim3A_4 : vector<16xf32> to vector<1x1x16xf32>
      tpu.vector_store %arg6[%swap3A_223, %swap3A_224, %swap3A_225], %swap3A_228 {strides = array<i32>} : memref<4x128x64xf32, #tpu.memory_space<vmem>>, vector<1x1x16xf32>,
      %swap3A_229 = arith.constant 0 : i32
      %swap3A_230 = arith.index_cast %swap3A_229 : i32 to index
      %swap3A_231 = arith.index_cast %scan3A_214 : i32 to index
      %swap3A_232 = arith.constant 32 : index
      %swap3A_233 = tpu.vector_load %arg6[%swap3A_230, %swap3A_231, %swap3A_232] {strides = array<i32>} : memref<4x128x64xf32, #tpu.memory_space<vmem>>, vector<1x1x16xf32>,
      %swap3A_234 = vector.shape_cast %swap3A_233 : vector<1x1x16xf32> to vector<16xf32>
      %swap3A_235 = vector.shape_cast %broadcast_in_dim3A_4 : vector<16xf32> to vector<1x1x16xf32>
      tpu.vector_store %arg6[%swap3A_230, %swap3A_231, %swap3A_232], %swap3A_235 {strides = array<i32>} : memref<4x128x64xf32, #tpu.memory_space<vmem>>, vector<1x1x16xf32>,
      %swap3A_236 = arith.constant 0 : i32
      %swap3A_237 = arith.index_cast %swap3A_236 : i32 to index
      %swap3A_238 = arith.index_cast %scan3A_214 : i32 to index
      %swap3A_239 = arith.constant 48 : index
      %swap3A_240 = tpu.vector_load %arg6[%swap3A_237, %swap3A_238, %swap3A_239] {strides = array<i32>} : memref<4x128x64xf32, #tpu.memory_space<vmem>>, vector<1x1x16xf32>,
      %swap3A_241 = vector.shape_cast %swap3A_240 : vector<1x1x16xf32> to vector<16xf32>
      %swap3A_242 = vector.shape_cast %broadcast_in_dim3A_4 : vector<16xf32> to vector<1x1x16xf32>
      tpu.vector_store %arg6[%swap3A_237, %swap3A_238, %swap3A_239], %swap3A_242 {strides = array<i32>} : memref<4x128x64xf32, #tpu.memory_space<vmem>>, vector<1x1x16xf32>,
    }
    %scan3A_9 = arith.constant 128 : i32
    %broadcast_in_dim3A_10 = arith.constant 0 : i32
    %broadcast_in_dim3A_11 = vector.broadcast %broadcast_in_dim3A_10 : i32 to vector<16xi32>
    %swap3A = arith.constant 0 : i32
    %swap3A_12 = arith.index_cast %swap3A : i32 to index
    %swap3A_13 = arith.constant 0 : index
    %swap3A_14 = tpu.vector_load %arg7[%swap3A_12, %swap3A_13] {strides = array<i32>} : memref<4x128xi32, #tpu.memory_space<vmem>>, vector<1x16xi32>,
    %swap3A_15 = vector.shape_cast %swap3A_14 : vector<1x16xi32> to vector<16xi32>
    %swap3A_16 = vector.shape_cast %broadcast_in_dim3A_11 : vector<16xi32> to vector<1x16xi32>
    tpu.vector_store %arg7[%swap3A_12, %swap3A_13], %swap3A_16 {strides = array<i32>} : memref<4x128xi32, #tpu.memory_space<vmem>>, vector<1x16xi32>,
    %swap3A_17 = arith.constant 0 : i32
    %swap3A_18 = arith.index_cast %swap3A_17 : i32 to index
    %swap3A_19 = arith.constant 16 : index
    %swap3A_20 = tpu.vector_load %arg7[%swap3A_18, %swap3A_19] {strides = array<i32>} : memref<4x128xi32, #tpu.memory_space<vmem>>, vector<1x16xi32>,
    %swap3A_21 = vector.shape_cast %swap3A_20 : vector<1x16xi32> to vector<16xi32>
    %swap3A_22 = vector.shape_cast %broadcast_in_dim3A_11 : vector<16xi32> to vector<1x16xi32>
    tpu.vector_store %arg7[%swap3A_18, %swap3A_19], %swap3A_22 {strides = array<i32>} : memref<4x128xi32, #tpu.memory_space<vmem>>, vector<1x16xi32>,
    %swap3A_23 = arith.constant 0 : i32
    %swap3A_24 = arith.index_cast %swap3A_23 : i32 to index
    %swap3A_25 = arith.constant 32 : index
    %swap3A_26 = tpu.vector_load %arg7[%swap3A_24, %swap3A_25] {strides = array<i32>} : memref<4x128xi32, #tpu.memory_space<vmem>>, vector<1x16xi32>,
    %swap3A_27 = vector.shape_cast %swap3A_26 : vector<1x16xi32> to vector<16xi32>
    %swap3A_28 = vector.shape_cast %broadcast_in_dim3A_11 : vector<16xi32> to vector<1x16xi32>
    tpu.vector_store %arg7[%swap3A_24, %swap3A_25], %swap3A_28 {strides = array<i32>} : memref<4x128xi32, #tpu.memory_space<vmem>>, vector<1x16xi32>,
    %swap3A_29 = arith.constant 0 : i32
    %swap3A_30 = arith.index_cast %swap3A_29 : i32 to index
    %swap3A_31 = arith.constant 48 : index
    %swap3A_32 = tpu.vector_load %arg7[%swap3A_30, %swap3A_31] {strides = array<i32>} : memref<4x128xi32, #tpu.memory_space<vmem>>, vector<1x16xi32>,
    %swap3A_33 = vector.shape_cast %swap3A_32 : vector<1x16xi32> to vector<16xi32>
    %swap3A_34 = vector.shape_cast %broadcast_in_dim3A_11 : vector<16xi32> to vector<1x16xi32>
    tpu.vector_store %arg7[%swap3A_30, %swap3A_31], %swap3A_34 {strides = array<i32>} : memref<4x128xi32, #tpu.memory_space<vmem>>, vector<1x16xi32>,
    %swap3A_35 = arith.constant 0 : i32
    %swap3A_36 = arith.index_cast %swap3A_35 : i32 to index
    %swap3A_37 = arith.constant 64 : index
    %swap3A_38 = tpu.vector_load %arg7[%swap3A_36, %swap3A_37] {strides = array<i32>} : memref<4x128xi32, #tpu.memory_space<vmem>>, vector<1x16xi32>,
    %swap3A_39 = vector.shape_cast %swap3A_38 : vector<1x16xi32> to vector<16xi32>
    %swap3A_40 = vector.shape_cast %broadcast_in_dim3A_11 : vector<16xi32> to vector<1x16xi32>
    tpu.vector_store %arg7[%swap3A_36, %swap3A_37], %swap3A_40 {strides = array<i32>} : memref<4x128xi32, #tpu.memory_space<vmem>>, vector<1x16xi32>,
    %swap3A_41 = arith.constant 0 : i32
    %swap3A_42 = arith.index_cast %swap3A_41 : i32 to index
    %swap3A_43 = arith.constant 80 : index
    %swap3A_44 = tpu.vector_load %arg7[%swap3A_42, %swap3A_43] {strides = array<i32>} : memref<4x128xi32, #tpu.memory_space<vmem>>, vector<1x16xi32>,
    %swap3A_45 = vector.shape_cast %swap3A_44 : vector<1x16xi32> to vector<16xi32>
    %swap3A_46 = vector.shape_cast %broadcast_in_dim3A_11 : vector<16xi32> to vector<1x16xi32>
    tpu.vector_store %arg7[%swap3A_42, %swap3A_43], %swap3A_46 {strides = array<i32>} : memref<4x128xi32, #tpu.memory_space<vmem>>, vector<1x16xi32>,
    %swap3A_47 = arith.constant 0 : i32
    %swap3A_48 = arith.index_cast %swap3A_47 : i32 to index
    %swap3A_49 = arith.constant 96 : index
    %swap3A_50 = tpu.vector_load %arg7[%swap3A_48, %swap3A_49] {strides = array<i32>} : memref<4x128xi32, #tpu.memory_space<vmem>>, vector<1x16xi32>,
    %swap3A_51 = vector.shape_cast %swap3A_50 : vector<1x16xi32> to vector<16xi32>
    %swap3A_52 = vector.shape_cast %broadcast_in_dim3A_11 : vector<16xi32> to vector<1x16xi32>
    tpu.vector_store %arg7[%swap3A_48, %swap3A_49], %swap3A_52 {strides = array<i32>} : memref<4x128xi32, #tpu.memory_space<vmem>>, vector<1x16xi32>,
    %swap3A_53 = arith.constant 0 : i32
    %swap3A_54 = arith.index_cast %swap3A_53 : i32 to index
    %swap3A_55 = arith.constant 112 : index
    %swap3A_56 = tpu.vector_load %arg7[%swap3A_54, %swap3A_55] {strides = array<i32>} : memref<4x128xi32, #tpu.memory_space<vmem>>, vector<1x16xi32>,
    %swap3A_57 = vector.shape_cast %swap3A_56 : vector<1x16xi32> to vector<16xi32>
    %swap3A_58 = vector.shape_cast %broadcast_in_dim3A_11 : vector<16xi32> to vector<1x16xi32>
    tpu.vector_store %arg7[%swap3A_54, %swap3A_55], %swap3A_58 {strides = array<i32>} : memref<4x128xi32, #tpu.memory_space<vmem>>, vector<1x16xi32>,
    %mul3A_59 = arith.constant 32 : i32
    %mul3A_60 = arith.muli %arg1, %mul3A_59 : i32
    %run_scoped3A = arith.constant 0 : i32
    "tpu.region"() ({
      %run_scoped3A_214 = tpu.sem_alloc : memref<!tpu.dma_semaphore, #tpu.memory_space<semaphore_mem>>
      %dma_start3A_215 = arith.constant 0 : i32
      %dma_start3A_216 = arith.constant 0 : i32
      %dma_start3A_217 = tpu.memref_slice %arg6[%run_scoped3A, %dma_start3A_215, %dma_start3A_216] : memref<4x128x64xf32, #tpu.memory_space<vmem>> -> memref<1x32x64xf32, #tpu.memory_space<vmem>>
      %dma_start3A_218 = tpu.memref_squeeze %dma_start3A_217 : memref<1x32x64xf32, #tpu.memory_space<vmem>> -> memref<32x64xf32, #tpu.memory_space<vmem>>
      %dma_start3A_219 = arith.constant 0 : i32
      %dma_start3A_220 = tpu.memref_slice %arg5[%mul3A_60, %dma_start3A_219] : memref<512x64xf32, #tpu.memory_space<vmem_shared>> -> memref<32x64xf32, #tpu.memory_space<vmem_shared>>
      %dma_start3A_221 = arith.constant 0 : i32
      %dma_start3A_222 = tpu.memref_slice %arg5[%mul3A_60, %dma_start3A_221] : memref<512x64xf32, #tpu.memory_space<vmem_shared>> -> memref<32x64xf32, #tpu.memory_space<vmem_shared>>
      %dma_start3A_223 = arith.constant 0 : i32
      %dma_start3A_224 = arith.constant 0 : i32
      %dma_start3A_225 = tpu.memref_slice %arg6[%run_scoped3A, %dma_start3A_223, %dma_start3A_224] : memref<4x128x64xf32, #tpu.memory_space<vmem>> -> memref<1x32x64xf32, #tpu.memory_space<vmem>>
      %dma_start3A_226 = tpu.memref_squeeze %dma_start3A_225 : memref<1x32x64xf32, #tpu.memory_space<vmem>> -> memref<32x64xf32, #tpu.memory_space<vmem>>
      tpu.enqueue_dma source(%dma_start3A_226 : memref<32x64xf32, #tpu.memory_space<vmem>>) target(%dma_start3A_222 : memref<32x64xf32, #tpu.memory_space<vmem_shared>>) target_semaphore(%run_scoped3A_214 : memref<!tpu.dma_semaphore, #tpu.memory_space<semaphore_mem>>)
      %dma_wait3A_227 = arith.constant 0 : i32
      %dma_wait3A_228 = arith.constant 0 : i32
      %dma_wait3A_229 = tpu.memref_slice %arg6[%run_scoped3A, %dma_wait3A_227, %dma_wait3A_228] : memref<4x128x64xf32, #tpu.memory_space<vmem>> -> memref<1x32x64xf32, #tpu.memory_space<vmem>>
      %dma_wait3A_230 = tpu.memref_squeeze %dma_wait3A_229 : memref<1x32x64xf32, #tpu.memory_space<vmem>> -> memref<32x64xf32, #tpu.memory_space<vmem>>
      %dma_wait3A_231 = arith.constant 0 : i32
      %dma_wait3A_232 = tpu.memref_slice %arg5[%mul3A_60, %dma_wait3A_231] : memref<512x64xf32, #tpu.memory_space<vmem_shared>> -> memref<32x64xf32, #tpu.memory_space<vmem_shared>>
      %dma_wait3A_233 = arith.constant 0 : i32
      %dma_wait3A_234 = tpu.memref_slice %arg5[%mul3A_60, %dma_wait3A_233] : memref<512x64xf32, #tpu.memory_space<vmem_shared>> -> memref<32x64xf32, #tpu.memory_space<vmem_shared>>
      %dma_wait3A_235 = arith.constant 0 : i32
      %dma_wait3A_236 = arith.constant 0 : i32
      %dma_wait3A_237 = tpu.memref_slice %arg6[%run_scoped3A, %dma_wait3A_235, %dma_wait3A_236] : memref<4x128x64xf32, #tpu.memory_space<vmem>> -> memref<1x32x64xf32, #tpu.memory_space<vmem>>
      %dma_wait3A_238 = tpu.memref_squeeze %dma_wait3A_237 : memref<1x32x64xf32, #tpu.memory_space<vmem>> -> memref<32x64xf32, #tpu.memory_space<vmem>>
      tpu.wait_dma2 semaphore(%run_scoped3A_214 : memref<!tpu.dma_semaphore, #tpu.memory_space<semaphore_mem>>) src(%dma_wait3A_238 : memref<32x64xf32, #tpu.memory_space<vmem>>) dst(%dma_wait3A_234 : memref<32x64xf32, #tpu.memory_space<vmem_shared>>)
      tpu.yield
    }) : () -> ()
    %barrier3A = arith.constant 0 : index
    tpu.barrier barrier_id(%barrier3A)
    %add3A_61 = arith.constant 3968 : i32
    %add3A_62 = arith.addi %add3A_3, %add3A_61 : i32
    %run_scoped3A_63 = arith.constant 0 : i32
    "tpu.region"() ({
      %run_scoped3A_214 = tpu.sem_alloc : memref<!tpu.dma_semaphore, #tpu.memory_space<semaphore_mem>>
      %dma_start3A_215 = arith.constant 0 : i32
      %dma_start3A_216 = tpu.memref_slice %arg7[%run_scoped3A_63, %dma_start3A_215] : memref<4x128xi32, #tpu.memory_space<vmem>> -> memref<1x112xi32, #tpu.memory_space<vmem>>
      %dma_start3A_217 = tpu.memref_squeeze %dma_start3A_216 : memref<1x112xi32, #tpu.memory_space<vmem>> -> memref<112xi32, #tpu.memory_space<vmem>>
      %dma_start3A_218 = tpu.memref_slice %arg3[%add3A_62] : memref<100000xi32, #tpu.memory_space<hbm>> -> memref<112xi32, #tpu.memory_space<hbm>>
      %dma_start3A_219 = arith.constant 0 : i32
      %dma_start3A_220 = tpu.memref_slice %arg7[%run_scoped3A_63, %dma_start3A_219] : memref<4x128xi32, #tpu.memory_space<vmem>> -> memref<1x112xi32, #tpu.memory_space<vmem>>
      %dma_start3A_221 = tpu.memref_squeeze %dma_start3A_220 : memref<1x112xi32, #tpu.memory_space<vmem>> -> memref<112xi32, #tpu.memory_space<vmem>>
      %dma_start3A_222 = tpu.memref_slice %arg3[%add3A_62] : memref<100000xi32, #tpu.memory_space<hbm>> -> memref<112xi32, #tpu.memory_space<hbm>>
      tpu.enqueue_dma source(%dma_start3A_222 : memref<112xi32, #tpu.memory_space<hbm>>) target(%dma_start3A_221 : memref<112xi32, #tpu.memory_space<vmem>>) target_semaphore(%run_scoped3A_214 : memref<!tpu.dma_semaphore, #tpu.memory_space<semaphore_mem>>)
      %dma_wait3A_223 = arith.constant 0 : i32
      %dma_wait3A_224 = tpu.memref_slice %arg7[%run_scoped3A_63, %dma_wait3A_223] : memref<4x128xi32, #tpu.memory_space<vmem>> -> memref<1x112xi32, #tpu.memory_space<vmem>>
      %dma_wait3A_225 = tpu.memref_squeeze %dma_wait3A_224 : memref<1x112xi32, #tpu.memory_space<vmem>> -> memref<112xi32, #tpu.memory_space<vmem>>
      %dma_wait3A_226 = tpu.memref_slice %arg3[%add3A_62] : memref<100000xi32, #tpu.memory_space<hbm>> -> memref<112xi32, #tpu.memory_space<hbm>>
      %dma_wait3A_227 = arith.constant 0 : i32
      %dma_wait3A_228 = tpu.memref_slice %arg7[%run_scoped3A_63, %dma_wait3A_227] : memref<4x128xi32, #tpu.memory_space<vmem>> -> memref<1x112xi32, #tpu.memory_space<vmem>>
      %dma_wait3A_229 = tpu.memref_squeeze %dma_wait3A_228 : memref<1x112xi32, #tpu.memory_space<vmem>> -> memref<112xi32, #tpu.memory_space<vmem>>
      %dma_wait3A_230 = tpu.memref_slice %arg3[%add3A_62] : memref<100000xi32, #tpu.memory_space<hbm>> -> memref<112xi32, #tpu.memory_space<hbm>>
      tpu.wait_dma2 semaphore(%run_scoped3A_214 : memref<!tpu.dma_semaphore, #tpu.memory_space<semaphore_mem>>) src(%dma_wait3A_230 : memref<112xi32, #tpu.memory_space<hbm>>) dst(%dma_wait3A_229 : memref<112xi32, #tpu.memory_space<vmem>>)
      tpu.yield
    }) : () -> ()
    %run_scoped3A_64 = arith.constant 0 : i32
    "tpu.region"() ({
      %run_scoped3A_214 = tpu.sem_alloc : memref<!tpu.dma_semaphore, #tpu.memory_space<semaphore_mem>>
      %dma_start3A_215 = arith.constant 0 : i32
      %dma_start3A_216 = arith.constant 0 : i32
      %dma_start3A_217 = tpu.memref_slice %arg6[%run_scoped3A_64, %dma_start3A_215, %dma_start3A_216] : memref<4x128x64xf32, #tpu.memory_space<vmem>> -> memref<1x112x64xf32, #tpu.memory_space<vmem>>
      %dma_start3A_218 = tpu.memref_squeeze %dma_start3A_217 : memref<1x112x64xf32, #tpu.memory_space<vmem>> -> memref<112x64xf32, #tpu.memory_space<vmem>>
      %dma_start3A_219 = tpu.memref_slice %arg2[%add3A_62, %mul3A_0] : memref<100000x128xf32, #tpu.memory_space<hbm>> -> memref<112x64xf32, #tpu.memory_space<hbm>>
      %dma_start3A_220 = arith.constant 0 : i32
      %dma_start3A_221 = arith.constant 0 : i32
      %dma_start3A_222 = tpu.memref_slice %arg6[%run_scoped3A_64, %dma_start3A_220, %dma_start3A_221] : memref<4x128x64xf32, #tpu.memory_space<vmem>> -> memref<1x112x64xf32, #tpu.memory_space<vmem>>
      %dma_start3A_223 = tpu.memref_squeeze %dma_start3A_222 : memref<1x112x64xf32, #tpu.memory_space<vmem>> -> memref<112x64xf32, #tpu.memory_space<vmem>>
      %dma_start3A_224 = tpu.memref_slice %arg2[%add3A_62, %mul3A_0] : memref<100000x128xf32, #tpu.memory_space<hbm>> -> memref<112x64xf32, #tpu.memory_space<hbm>>
      tpu.enqueue_dma source(%dma_start3A_224 : memref<112x64xf32, #tpu.memory_space<hbm>>) target(%dma_start3A_223 : memref<112x64xf32, #tpu.memory_space<vmem>>) target_semaphore(%run_scoped3A_214 : memref<!tpu.dma_semaphore, #tpu.memory_space<semaphore_mem>>)
      %dma_wait3A_225 = arith.constant 0 : i32
      %dma_wait3A_226 = arith.constant 0 : i32
      %dma_wait3A_227 = tpu.memref_slice %arg6[%run_scoped3A_64, %dma_wait3A_225, %dma_wait3A_226] : memref<4x128x64xf32, #tpu.memory_space<vmem>> -> memref<1x112x64xf32, #tpu.memory_space<vmem>>
      %dma_wait3A_228 = tpu.memref_squeeze %dma_wait3A_227 : memref<1x112x64xf32, #tpu.memory_space<vmem>> -> memref<112x64xf32, #tpu.memory_space<vmem>>
      %dma_wait3A_229 = tpu.memref_slice %arg2[%add3A_62, %mul3A_0] : memref<100000x128xf32, #tpu.memory_space<hbm>> -> memref<112x64xf32, #tpu.memory_space<hbm>>
      %dma_wait3A_230 = arith.constant 0 : i32
      %dma_wait3A_231 = arith.constant 0 : i32
      %dma_wait3A_232 = tpu.memref_slice %arg6[%run_scoped3A_64, %dma_wait3A_230, %dma_wait3A_231] : memref<4x128x64xf32, #tpu.memory_space<vmem>> -> memref<1x112x64xf32, #tpu.memory_space<vmem>>
      %dma_wait3A_233 = tpu.memref_squeeze %dma_wait3A_232 : memref<1x112x64xf32, #tpu.memory_space<vmem>> -> memref<112x64xf32, #tpu.memory_space<vmem>>
      %dma_wait3A_234 = tpu.memref_slice %arg2[%add3A_62, %mul3A_0] : memref<100000x128xf32, #tpu.memory_space<hbm>> -> memref<112x64xf32, #tpu.memory_space<hbm>>
      tpu.wait_dma2 semaphore(%run_scoped3A_214 : memref<!tpu.dma_semaphore, #tpu.memory_space<semaphore_mem>>) src(%dma_wait3A_234 : memref<112x64xf32, #tpu.memory_space<hbm>>) dst(%dma_wait3A_233 : memref<112x64xf32, #tpu.memory_space<vmem>>)
      tpu.yield
    }) : () -> ()
    %run_scoped3A_65 = arith.constant 0 : i32
    %run_scoped3A_66 = arith.constant 0 : i32
    "tpu.region"() ({
      %run_scoped3A_214 = tpu.sem_alloc : memref<!tpu.dma_semaphore, #tpu.memory_space<semaphore_mem>>
      %dma_start3A_215 = arith.constant 0 : i32
      %dma_start3A_216 = arith.constant 0 : i32
      %dma_start3A_217 = tpu.memref_slice %arg6[%run_scoped3A_65, %dma_start3A_215, %dma_start3A_216] : memref<4x128x64xf32, #tpu.memory_space<vmem>> -> memref<1x128x64xf32, #tpu.memory_space<vmem>>
      %dma_start3A_218 = tpu.memref_squeeze %dma_start3A_217 : memref<1x128x64xf32, #tpu.memory_space<vmem>> -> memref<128x64xf32, #tpu.memory_space<vmem>>
      %dma_start3A_219 = arith.constant 0 : i32
      %dma_start3A_220 = tpu.memref_slice %arg7[%run_scoped3A_66, %dma_start3A_219] : memref<4x128xi32, #tpu.memory_space<vmem>> -> memref<1x128xi32, #tpu.memory_space<vmem>>
      %dma_start3A_221 = tpu.memref_squeeze %dma_start3A_220 : memref<1x128xi32, #tpu.memory_space<vmem>> -> memref<128xi32, #tpu.memory_space<vmem>>
      %dma_start3A_222 = arith.constant 0 : i32
      %dma_start3A_223 = arith.constant 0 : i32
      %dma_start3A_224 = tpu.memref_slice %arg5[%dma_start3A_222, %dma_start3A_223] : memref<512x64xf32, #tpu.memory_space<vmem_shared>> -> memref<512x64xf32, #tpu.memory_space<vmem_shared>>
      tpu.enqueue_indirect_dma source(%dma_start3A_218 : memref<128x64xf32, #tpu.memory_space<vmem>>) target(%dma_start3A_224 : memref<512x64xf32, #tpu.memory_space<vmem_shared>>) offsets(%dma_start3A_221 : memref<128xi32, #tpu.memory_space<vmem>>) semaphore(%run_scoped3A_214 : memref<!tpu.dma_semaphore, #tpu.memory_space<semaphore_mem>>) {add = true}
      %dma_wait3A_225 = arith.constant 0 : i32
      %dma_wait3A_226 = arith.constant 0 : i32
      %dma_wait3A_227 = tpu.memref_slice %arg6[%run_scoped3A_65, %dma_wait3A_225, %dma_wait3A_226] : memref<4x128x64xf32, #tpu.memory_space<vmem>> -> memref<1x128x64xf32, #tpu.memory_space<vmem>>
      %dma_wait3A_228 = tpu.memref_squeeze %dma_wait3A_227 : memref<1x128x64xf32, #tpu.memory_space<vmem>> -> memref<128x64xf32, #tpu.memory_space<vmem>>
      %dma_wait3A_229 = arith.constant 0 : i32
      %dma_wait3A_230 = tpu.memref_slice %arg7[%run_scoped3A_66, %dma_wait3A_229] : memref<4x128xi32, #tpu.memory_space<vmem>> -> memref<1x128xi32, #tpu.memory_space<vmem>>
      %dma_wait3A_231 = tpu.memref_squeeze %dma_wait3A_230 : memref<1x128xi32, #tpu.memory_space<vmem>> -> memref<128xi32, #tpu.memory_space<vmem>>
      %dma_wait3A_232 = arith.constant 0 : i32
      %dma_wait3A_233 = arith.constant 0 : i32
      %dma_wait3A_234 = tpu.memref_slice %arg5[%dma_wait3A_232, %dma_wait3A_233] : memref<512x64xf32, #tpu.memory_space<vmem_shared>> -> memref<512x64xf32, #tpu.memory_space<vmem_shared>>
      tpu.wait_indirect_dma semaphore(%run_scoped3A_214 : memref<!tpu.dma_semaphore, #tpu.memory_space<semaphore_mem>>) src(%dma_wait3A_228 : memref<128x64xf32, #tpu.memory_space<vmem>>) dst(%dma_wait3A_234 : memref<512x64xf32, #tpu.memory_space<vmem_shared>>)
      tpu.yield
    }) : () -> ()
    %add3A_67 = arith.constant 0 : i32
    %add3A_68 = arith.addi %add3A_3, %add3A_67 : i32
    %dma_start3A = arith.constant 0 : i32
    %dma_start3A_69 = arith.constant 0 : i32
    %dma_start3A_70 = tpu.memref_slice %arg7[%dma_start3A, %dma_start3A_69] : memref<4x128xi32, #tpu.memory_space<vmem>> -> memref<1x128xi32, #tpu.memory_space<vmem>>
    %dma_start3A_71 = tpu.memref_squeeze %dma_start3A_70 : memref<1x128xi32, #tpu.memory_space<vmem>> -> memref<128xi32, #tpu.memory_space<vmem>>
    %dma_start3A_72 = tpu.memref_slice %arg3[%add3A_68] : memref<100000xi32, #tpu.memory_space<hbm>> -> memref<128xi32, #tpu.memory_space<hbm>>
    %dma_start3A_73 = arith.constant 0 : i32
    %dma_start3A_74 = tpu.memref_slice %arg7[%dma_start3A, %dma_start3A_73] : memref<4x128xi32, #tpu.memory_space<vmem>> -> memref<1x128xi32, #tpu.memory_space<vmem>>
    %dma_start3A_75 = tpu.memref_squeeze %dma_start3A_74 : memref<1x128xi32, #tpu.memory_space<vmem>> -> memref<128xi32, #tpu.memory_space<vmem>>
    %dma_start3A_76 = tpu.memref_slice %arg3[%add3A_68] : memref<100000xi32, #tpu.memory_space<hbm>> -> memref<128xi32, #tpu.memory_space<hbm>>
    tpu.enqueue_dma source(%dma_start3A_76 : memref<128xi32, #tpu.memory_space<hbm>>) target(%dma_start3A_75 : memref<128xi32, #tpu.memory_space<vmem>>) target_semaphore(%arg12 : memref<!tpu.dma_semaphore, #tpu.memory_space<semaphore_mem>>)
    %dma_start3A_77 = arith.constant 0 : i32
    %dma_start3A_78 = arith.constant 0 : i32
    %dma_start3A_79 = arith.constant 0 : i32
    %dma_start3A_80 = tpu.memref_slice %arg6[%dma_start3A_77, %dma_start3A_78, %dma_start3A_79] : memref<4x128x64xf32, #tpu.memory_space<vmem>> -> memref<1x128x64xf32, #tpu.memory_space<vmem>>
    %dma_start3A_81 = tpu.memref_squeeze %dma_start3A_80 : memref<1x128x64xf32, #tpu.memory_space<vmem>> -> memref<128x64xf32, #tpu.memory_space<vmem>>
    %dma_start3A_82 = tpu.memref_slice %arg2[%add3A_68, %mul3A_0] : memref<100000x128xf32, #tpu.memory_space<hbm>> -> memref<128x64xf32, #tpu.memory_space<hbm>>
    %dma_start3A_83 = arith.constant 0 : i32
    %dma_start3A_84 = arith.constant 0 : i32
    %dma_start3A_85 = tpu.memref_slice %arg6[%dma_start3A_77, %dma_start3A_83, %dma_start3A_84] : memref<4x128x64xf32, #tpu.memory_space<vmem>> -> memref<1x128x64xf32, #tpu.memory_space<vmem>>
    %dma_start3A_86 = tpu.memref_squeeze %dma_start3A_85 : memref<1x128x64xf32, #tpu.memory_space<vmem>> -> memref<128x64xf32, #tpu.memory_space<vmem>>
    %dma_start3A_87 = tpu.memref_slice %arg2[%add3A_68, %mul3A_0] : memref<100000x128xf32, #tpu.memory_space<hbm>> -> memref<128x64xf32, #tpu.memory_space<hbm>>
    tpu.enqueue_dma source(%dma_start3A_87 : memref<128x64xf32, #tpu.memory_space<hbm>>) target(%dma_start3A_86 : memref<128x64xf32, #tpu.memory_space<vmem>>) target_semaphore(%arg8 : memref<!tpu.dma_semaphore, #tpu.memory_space<semaphore_mem>>)
    %add3A_88 = arith.constant 128 : i32
    %add3A_89 = arith.addi %add3A_3, %add3A_88 : i32
    %dma_start3A_90 = arith.constant 1 : i32
    %dma_start3A_91 = arith.constant 0 : i32
    %dma_start3A_92 = tpu.memref_slice %arg7[%dma_start3A_90, %dma_start3A_91] : memref<4x128xi32, #tpu.memory_space<vmem>> -> memref<1x128xi32, #tpu.memory_space<vmem>>
    %dma_start3A_93 = tpu.memref_squeeze %dma_start3A_92 : memref<1x128xi32, #tpu.memory_space<vmem>> -> memref<128xi32, #tpu.memory_space<vmem>>
    %dma_start3A_94 = tpu.memref_slice %arg3[%add3A_89] : memref<100000xi32, #tpu.memory_space<hbm>> -> memref<128xi32, #tpu.memory_space<hbm>>
    %dma_start3A_95 = arith.constant 0 : i32
    %dma_start3A_96 = tpu.memref_slice %arg7[%dma_start3A_90, %dma_start3A_95] : memref<4x128xi32, #tpu.memory_space<vmem>> -> memref<1x128xi32, #tpu.memory_space<vmem>>
    %dma_start3A_97 = tpu.memref_squeeze %dma_start3A_96 : memref<1x128xi32, #tpu.memory_space<vmem>> -> memref<128xi32, #tpu.memory_space<vmem>>
    %dma_start3A_98 = tpu.memref_slice %arg3[%add3A_89] : memref<100000xi32, #tpu.memory_space<hbm>> -> memref<128xi32, #tpu.memory_space<hbm>>
    tpu.enqueue_dma source(%dma_start3A_98 : memref<128xi32, #tpu.memory_space<hbm>>) target(%dma_start3A_97 : memref<128xi32, #tpu.memory_space<vmem>>) target_semaphore(%arg13 : memref<!tpu.dma_semaphore, #tpu.memory_space<semaphore_mem>>)
    %dma_start3A_99 = arith.constant 1 : i32
    %dma_start3A_100 = arith.constant 0 : i32
    %dma_start3A_101 = arith.constant 0 : i32
    %dma_start3A_102 = tpu.memref_slice %arg6[%dma_start3A_99, %dma_start3A_100, %dma_start3A_101] : memref<4x128x64xf32, #tpu.memory_space<vmem>> -> memref<1x128x64xf32, #tpu.memory_space<vmem>>
    %dma_start3A_103 = tpu.memref_squeeze %dma_start3A_102 : memref<1x128x64xf32, #tpu.memory_space<vmem>> -> memref<128x64xf32, #tpu.memory_space<vmem>>
    %dma_start3A_104 = tpu.memref_slice %arg2[%add3A_89, %mul3A_0] : memref<100000x128xf32, #tpu.memory_space<hbm>> -> memref<128x64xf32, #tpu.memory_space<hbm>>
    %dma_start3A_105 = arith.constant 0 : i32
    %dma_start3A_106 = arith.constant 0 : i32
    %dma_start3A_107 = tpu.memref_slice %arg6[%dma_start3A_99, %dma_start3A_105, %dma_start3A_106] : memref<4x128x64xf32, #tpu.memory_space<vmem>> -> memref<1x128x64xf32, #tpu.memory_space<vmem>>
    %dma_start3A_108 = tpu.memref_squeeze %dma_start3A_107 : memref<1x128x64xf32, #tpu.memory_space<vmem>> -> memref<128x64xf32, #tpu.memory_space<vmem>>
    %dma_start3A_109 = tpu.memref_slice %arg2[%add3A_89, %mul3A_0] : memref<100000x128xf32, #tpu.memory_space<hbm>> -> memref<128x64xf32, #tpu.memory_space<hbm>>
    tpu.enqueue_dma source(%dma_start3A_109 : memref<128x64xf32, #tpu.memory_space<hbm>>) target(%dma_start3A_108 : memref<128x64xf32, #tpu.memory_space<vmem>>) target_semaphore(%arg9 : memref<!tpu.dma_semaphore, #tpu.memory_space<semaphore_mem>>)
    %add3A_110 = arith.constant 256 : i32
    %add3A_111 = arith.addi %add3A_3, %add3A_110 : i32
    %dma_start3A_112 = arith.constant 2 : i32
    %dma_start3A_113 = arith.constant 0 : i32
    %dma_start3A_114 = tpu.memref_slice %arg7[%dma_start3A_112, %dma_start3A_113] : memref<4x128xi32, #tpu.memory_space<vmem>> -> memref<1x128xi32, #tpu.memory_space<vmem>>
    %dma_start3A_115 = tpu.memref_squeeze %dma_start3A_114 : memref<1x128xi32, #tpu.memory_space<vmem>> -> memref<128xi32, #tpu.memory_space<vmem>>
    %dma_start3A_116 = tpu.memref_slice %arg3[%add3A_111] : memref<100000xi32, #tpu.memory_space<hbm>> -> memref<128xi32, #tpu.memory_space<hbm>>
    %dma_start3A_117 = arith.constant 0 : i32
    %dma_start3A_118 = tpu.memref_slice %arg7[%dma_start3A_112, %dma_start3A_117] : memref<4x128xi32, #tpu.memory_space<vmem>> -> memref<1x128xi32, #tpu.memory_space<vmem>>
    %dma_start3A_119 = tpu.memref_squeeze %dma_start3A_118 : memref<1x128xi32, #tpu.memory_space<vmem>> -> memref<128xi32, #tpu.memory_space<vmem>>
    %dma_start3A_120 = tpu.memref_slice %arg3[%add3A_111] : memref<100000xi32, #tpu.memory_space<hbm>> -> memref<128xi32, #tpu.memory_space<hbm>>
    tpu.enqueue_dma source(%dma_start3A_120 : memref<128xi32, #tpu.memory_space<hbm>>) target(%dma_start3A_119 : memref<128xi32, #tpu.memory_space<vmem>>) target_semaphore(%arg14 : memref<!tpu.dma_semaphore, #tpu.memory_space<semaphore_mem>>)
    %dma_start3A_121 = arith.constant 2 : i32
    %dma_start3A_122 = arith.constant 0 : i32
    %dma_start3A_123 = arith.constant 0 : i32
    %dma_start3A_124 = tpu.memref_slice %arg6[%dma_start3A_121, %dma_start3A_122, %dma_start3A_123] : memref<4x128x64xf32, #tpu.memory_space<vmem>> -> memref<1x128x64xf32, #tpu.memory_space<vmem>>
    %dma_start3A_125 = tpu.memref_squeeze %dma_start3A_124 : memref<1x128x64xf32, #tpu.memory_space<vmem>> -> memref<128x64xf32, #tpu.memory_space<vmem>>
    %dma_start3A_126 = tpu.memref_slice %arg2[%add3A_111, %mul3A_0] : memref<100000x128xf32, #tpu.memory_space<hbm>> -> memref<128x64xf32, #tpu.memory_space<hbm>>
    %dma_start3A_127 = arith.constant 0 : i32
    %dma_start3A_128 = arith.constant 0 : i32
    %dma_start3A_129 = tpu.memref_slice %arg6[%dma_start3A_121, %dma_start3A_127, %dma_start3A_128] : memref<4x128x64xf32, #tpu.memory_space<vmem>> -> memref<1x128x64xf32, #tpu.memory_space<vmem>>
    %dma_start3A_130 = tpu.memref_squeeze %dma_start3A_129 : memref<1x128x64xf32, #tpu.memory_space<vmem>> -> memref<128x64xf32, #tpu.memory_space<vmem>>
    %dma_start3A_131 = tpu.memref_slice %arg2[%add3A_111, %mul3A_0] : memref<100000x128xf32, #tpu.memory_space<hbm>> -> memref<128x64xf32, #tpu.memory_space<hbm>>
    tpu.enqueue_dma source(%dma_start3A_131 : memref<128x64xf32, #tpu.memory_space<hbm>>) target(%dma_start3A_130 : memref<128x64xf32, #tpu.memory_space<vmem>>) target_semaphore(%arg10 : memref<!tpu.dma_semaphore, #tpu.memory_space<semaphore_mem>>)
    %scan3A_132 = arith.constant 0 : i32
    %scan3A_133 = arith.constant 0 : i32
    %scan3A_134 = arith.constant 7 : i32
    %scan3A_135 = arith.addi %scan3A_133, %scan3A_134 : i32
    %scan3A_136 = arith.constant 1 : i32
    scf.for %scan3A_214 = %scan3A_133 to %scan3A_135 step %scan3A_136  : i32 {
      %mul3A_215 = arith.constant 4 : i32
      %mul3A_216 = arith.muli %mul3A_215, %scan3A_214 : i32
      %add3A_217 = arith.constant 0 : i32
      %add3A_218 = arith.addi %mul3A_216, %add3A_217 : i32
      %mul3A_219 = arith.constant 128 : i32
      %mul3A_220 = arith.muli %add3A_218, %mul3A_219 : i32
      %add3A_221 = arith.addi %add3A_3, %mul3A_220 : i32
      %dma_wait3A_222 = arith.constant 0 : i32
      %dma_wait3A_223 = arith.constant 0 : i32
      %dma_wait3A_224 = tpu.memref_slice %arg7[%dma_wait3A_222, %dma_wait3A_223] : memref<4x128xi32, #tpu.memory_space<vmem>> -> memref<1x128xi32, #tpu.memory_space<vmem>>
      %dma_wait3A_225 = tpu.memref_squeeze %dma_wait3A_224 : memref<1x128xi32, #tpu.memory_space<vmem>> -> memref<128xi32, #tpu.memory_space<vmem>>
      %dma_wait3A_226 = tpu.memref_slice %arg3[%add3A_221] : memref<100000xi32, #tpu.memory_space<hbm>> -> memref<128xi32, #tpu.memory_space<hbm>>
      %dma_wait3A_227 = arith.constant 0 : i32
      %dma_wait3A_228 = tpu.memref_slice %arg7[%dma_wait3A_222, %dma_wait3A_227] : memref<4x128xi32, #tpu.memory_space<vmem>> -> memref<1x128xi32, #tpu.memory_space<vmem>>
      %dma_wait3A_229 = tpu.memref_squeeze %dma_wait3A_228 : memref<1x128xi32, #tpu.memory_space<vmem>> -> memref<128xi32, #tpu.memory_space<vmem>>
      %dma_wait3A_230 = tpu.memref_slice %arg3[%add3A_221] : memref<100000xi32, #tpu.memory_space<hbm>> -> memref<128xi32, #tpu.memory_space<hbm>>
      tpu.wait_dma2 semaphore(%arg12 : memref<!tpu.dma_semaphore, #tpu.memory_space<semaphore_mem>>) src(%dma_wait3A_230 : memref<128xi32, #tpu.memory_space<hbm>>) dst(%dma_wait3A_229 : memref<128xi32, #tpu.memory_space<vmem>>)
      %dma_wait3A_231 = arith.constant 0 : i32
      %dma_wait3A_232 = arith.constant 0 : i32
      %dma_wait3A_233 = arith.constant 0 : i32
      %dma_wait3A_234 = tpu.memref_slice %arg6[%dma_wait3A_231, %dma_wait3A_232, %dma_wait3A_233] : memref<4x128x64xf32, #tpu.memory_space<vmem>> -> memref<1x128x64xf32, #tpu.memory_space<vmem>>
      %dma_wait3A_235 = tpu.memref_squeeze %dma_wait3A_234 : memref<1x128x64xf32, #tpu.memory_space<vmem>> -> memref<128x64xf32, #tpu.memory_space<vmem>>
      %dma_wait3A_236 = tpu.memref_slice %arg2[%add3A_221, %mul3A_0] : memref<100000x128xf32, #tpu.memory_space<hbm>> -> memref<128x64xf32, #tpu.memory_space<hbm>>
      %dma_wait3A_237 = arith.constant 0 : i32
      %dma_wait3A_238 = arith.constant 0 : i32
      %dma_wait3A_239 = tpu.memref_slice %arg6[%dma_wait3A_231, %dma_wait3A_237, %dma_wait3A_238] : memref<4x128x64xf32, #tpu.memory_space<vmem>> -> memref<1x128x64xf32, #tpu.memory_space<vmem>>
      %dma_wait3A_240 = tpu.memref_squeeze %dma_wait3A_239 : memref<1x128x64xf32, #tpu.memory_space<vmem>> -> memref<128x64xf32, #tpu.memory_space<vmem>>
      %dma_wait3A_241 = tpu.memref_slice %arg2[%add3A_221, %mul3A_0] : memref<100000x128xf32, #tpu.memory_space<hbm>> -> memref<128x64xf32, #tpu.memory_space<hbm>>
      tpu.wait_dma2 semaphore(%arg8 : memref<!tpu.dma_semaphore, #tpu.memory_space<semaphore_mem>>) src(%dma_wait3A_241 : memref<128x64xf32, #tpu.memory_space<hbm>>) dst(%dma_wait3A_240 : memref<128x64xf32, #tpu.memory_space<vmem>>)
      %run_scoped3A_242 = arith.constant 0 : i32
      %run_scoped3A_243 = arith.constant 0 : i32
      "tpu.region"() ({
        %run_scoped3A_363 = tpu.sem_alloc : memref<!tpu.dma_semaphore, #tpu.memory_space<semaphore_mem>>
        %dma_start3A_364 = arith.constant 0 : i32
        %dma_start3A_365 = arith.constant 0 : i32
        %dma_start3A_366 = tpu.memref_slice %arg6[%run_scoped3A_242, %dma_start3A_364, %dma_start3A_365] : memref<4x128x64xf32, #tpu.memory_space<vmem>> -> memref<1x128x64xf32, #tpu.memory_space<vmem>>
        %dma_start3A_367 = tpu.memref_squeeze %dma_start3A_366 : memref<1x128x64xf32, #tpu.memory_space<vmem>> -> memref<128x64xf32, #tpu.memory_space<vmem>>
        %dma_start3A_368 = arith.constant 0 : i32
        %dma_start3A_369 = tpu.memref_slice %arg7[%run_scoped3A_243, %dma_start3A_368] : memref<4x128xi32, #tpu.memory_space<vmem>> -> memref<1x128xi32, #tpu.memory_space<vmem>>
        %dma_start3A_370 = tpu.memref_squeeze %dma_start3A_369 : memref<1x128xi32, #tpu.memory_space<vmem>> -> memref<128xi32, #tpu.memory_space<vmem>>
        %dma_start3A_371 = arith.constant 0 : i32
        %dma_start3A_372 = arith.constant 0 : i32
        %dma_start3A_373 = tpu.memref_slice %arg5[%dma_start3A_371, %dma_start3A_372] : memref<512x64xf32, #tpu.memory_space<vmem_shared>> -> memref<512x64xf32, #tpu.memory_space<vmem_shared>>
        tpu.enqueue_indirect_dma source(%dma_start3A_367 : memref<128x64xf32, #tpu.memory_space<vmem>>) target(%dma_start3A_373 : memref<512x64xf32, #tpu.memory_space<vmem_shared>>) offsets(%dma_start3A_370 : memref<128xi32, #tpu.memory_space<vmem>>) semaphore(%run_scoped3A_363 : memref<!tpu.dma_semaphore, #tpu.memory_space<semaphore_mem>>) {add = true}
        %dma_wait3A_374 = arith.constant 0 : i32
        %dma_wait3A_375 = arith.constant 0 : i32
        %dma_wait3A_376 = tpu.memref_slice %arg6[%run_scoped3A_242, %dma_wait3A_374, %dma_wait3A_375] : memref<4x128x64xf32, #tpu.memory_space<vmem>> -> memref<1x128x64xf32, #tpu.memory_space<vmem>>
        %dma_wait3A_377 = tpu.memref_squeeze %dma_wait3A_376 : memref<1x128x64xf32, #tpu.memory_space<vmem>> -> memref<128x64xf32, #tpu.memory_space<vmem>>
        %dma_wait3A_378 = arith.constant 0 : i32
        %dma_wait3A_379 = tpu.memref_slice %arg7[%run_scoped3A_243, %dma_wait3A_378] : memref<4x128xi32, #tpu.memory_space<vmem>> -> memref<1x128xi32, #tpu.memory_space<vmem>>
        %dma_wait3A_380 = tpu.memref_squeeze %dma_wait3A_379 : memref<1x128xi32, #tpu.memory_space<vmem>> -> memref<128xi32, #tpu.memory_space<vmem>>
        %dma_wait3A_381 = arith.constant 0 : i32
        %dma_wait3A_382 = arith.constant 0 : i32
        %dma_wait3A_383 = tpu.memref_slice %arg5[%dma_wait3A_381, %dma_wait3A_382] : memref<512x64xf32, #tpu.memory_space<vmem_shared>> -> memref<512x64xf32, #tpu.memory_space<vmem_shared>>
        tpu.wait_indirect_dma semaphore(%run_scoped3A_363 : memref<!tpu.dma_semaphore, #tpu.memory_space<semaphore_mem>>) src(%dma_wait3A_377 : memref<128x64xf32, #tpu.memory_space<vmem>>) dst(%dma_wait3A_383 : memref<512x64xf32, #tpu.memory_space<vmem_shared>>)
        tpu.yield
      }) : () -> ()
      %add3A_244 = arith.constant 4 : i32
      %add3A_245 = arith.addi %add3A_218, %add3A_244 : i32
      %sub3A = arith.constant 1 : i32
      %sub3A_246 = arith.subi %add3A_245, %sub3A : i32
      %lt3A = arith.constant 31 : i32
      %lt3A_247 = arith.cmpi slt, %sub3A_246, %lt3A : i32
      %convert_element_type3A = arith.extui %lt3A_247 : i1 to i32
      %cond3A = arith.constant 0 : i32
      %cond3A_248 = arith.cmpi ne, %convert_element_type3A, %cond3A : i32
      scf.if %cond3A_248 {
        %add3A_363 = arith.constant 4 : i32
        %add3A_364 = arith.addi %add3A_218, %add3A_363 : i32
        %sub3A_365 = arith.constant 1 : i32
        %sub3A_366 = arith.subi %add3A_364, %sub3A_365 : i32
        %mul3A_367 = arith.constant 128 : i32
        %mul3A_368 = arith.muli %sub3A_366, %mul3A_367 : i32
        %add3A_369 = arith.addi %add3A_3, %mul3A_368 : i32
        %dma_start3A_370 = arith.constant 3 : i32
        %dma_start3A_371 = arith.constant 0 : i32
        %dma_start3A_372 = tpu.memref_slice %arg7[%dma_start3A_370, %dma_start3A_371] : memref<4x128xi32, #tpu.memory_space<vmem>> -> memref<1x128xi32, #tpu.memory_space<vmem>>
        %dma_start3A_373 = tpu.memref_squeeze %dma_start3A_372 : memref<1x128xi32, #tpu.memory_space<vmem>> -> memref<128xi32, #tpu.memory_space<vmem>>
        %dma_start3A_374 = tpu.memref_slice %arg3[%add3A_369] : memref<100000xi32, #tpu.memory_space<hbm>> -> memref<128xi32, #tpu.memory_space<hbm>>
        %dma_start3A_375 = arith.constant 0 : i32
        %dma_start3A_376 = tpu.memref_slice %arg7[%dma_start3A_370, %dma_start3A_375] : memref<4x128xi32, #tpu.memory_space<vmem>> -> memref<1x128xi32, #tpu.memory_space<vmem>>
        %dma_start3A_377 = tpu.memref_squeeze %dma_start3A_376 : memref<1x128xi32, #tpu.memory_space<vmem>> -> memref<128xi32, #tpu.memory_space<vmem>>
        %dma_start3A_378 = tpu.memref_slice %arg3[%add3A_369] : memref<100000xi32, #tpu.memory_space<hbm>> -> memref<128xi32, #tpu.memory_space<hbm>>
        tpu.enqueue_dma source(%dma_start3A_378 : memref<128xi32, #tpu.memory_space<hbm>>) target(%dma_start3A_377 : memref<128xi32, #tpu.memory_space<vmem>>) target_semaphore(%arg15 : memref<!tpu.dma_semaphore, #tpu.memory_space<semaphore_mem>>)
        %dma_start3A_379 = arith.constant 3 : i32
        %dma_start3A_380 = arith.constant 0 : i32
        %dma_start3A_381 = arith.constant 0 : i32
        %dma_start3A_382 = tpu.memref_slice %arg6[%dma_start3A_379, %dma_start3A_380, %dma_start3A_381] : memref<4x128x64xf32, #tpu.memory_space<vmem>> -> memref<1x128x64xf32, #tpu.memory_space<vmem>>
        %dma_start3A_383 = tpu.memref_squeeze %dma_start3A_382 : memref<1x128x64xf32, #tpu.memory_space<vmem>> -> memref<128x64xf32, #tpu.memory_space<vmem>>
        %dma_start3A_384 = tpu.memref_slice %arg2[%add3A_369, %mul3A_0] : memref<100000x128xf32, #tpu.memory_space<hbm>> -> memref<128x64xf32, #tpu.memory_space<hbm>>
        %dma_start3A_385 = arith.constant 0 : i32
        %dma_start3A_386 = arith.constant 0 : i32
        %dma_start3A_387 = tpu.memref_slice %arg6[%dma_start3A_379, %dma_start3A_385, %dma_start3A_386] : memref<4x128x64xf32, #tpu.memory_space<vmem>> -> memref<1x128x64xf32, #tpu.memory_space<vmem>>
        %dma_start3A_388 = tpu.memref_squeeze %dma_start3A_387 : memref<1x128x64xf32, #tpu.memory_space<vmem>> -> memref<128x64xf32, #tpu.memory_space<vmem>>
        %dma_start3A_389 = tpu.memref_slice %arg2[%add3A_369, %mul3A_0] : memref<100000x128xf32, #tpu.memory_space<hbm>> -> memref<128x64xf32, #tpu.memory_space<hbm>>
        tpu.enqueue_dma source(%dma_start3A_389 : memref<128x64xf32, #tpu.memory_space<hbm>>) target(%dma_start3A_388 : memref<128x64xf32, #tpu.memory_space<vmem>>) target_semaphore(%arg11 : memref<!tpu.dma_semaphore, #tpu.memory_space<semaphore_mem>>)
      } else {
      }
      %mul3A_249 = arith.constant 4 : i32
      %mul3A_250 = arith.muli %mul3A_249, %scan3A_214 : i32
      %add3A_251 = arith.constant 1 : i32
      %add3A_252 = arith.addi %mul3A_250, %add3A_251 : i32
      %mul3A_253 = arith.constant 128 : i32
      %mul3A_254 = arith.muli %add3A_252, %mul3A_253 : i32
      %add3A_255 = arith.addi %add3A_3, %mul3A_254 : i32
      %dma_wait3A_256 = arith.constant 1 : i32
      %dma_wait3A_257 = arith.constant 0 : i32
      %dma_wait3A_258 = tpu.memref_slice %arg7[%dma_wait3A_256, %dma_wait3A_257] : memref<4x128xi32, #tpu.memory_space<vmem>> -> memref<1x128xi32, #tpu.memory_space<vmem>>
      %dma_wait3A_259 = tpu.memref_squeeze %dma_wait3A_258 : memref<1x128xi32, #tpu.memory_space<vmem>> -> memref<128xi32, #tpu.memory_space<vmem>>
      %dma_wait3A_260 = tpu.memref_slice %arg3[%add3A_255] : memref<100000xi32, #tpu.memory_space<hbm>> -> memref<128xi32, #tpu.memory_space<hbm>>
      %dma_wait3A_261 = arith.constant 0 : i32
      %dma_wait3A_262 = tpu.memref_slice %arg7[%dma_wait3A_256, %dma_wait3A_261] : memref<4x128xi32, #tpu.memory_space<vmem>> -> memref<1x128xi32, #tpu.memory_space<vmem>>
      %dma_wait3A_263 = tpu.memref_squeeze %dma_wait3A_262 : memref<1x128xi32, #tpu.memory_space<vmem>> -> memref<128xi32, #tpu.memory_space<vmem>>
      %dma_wait3A_264 = tpu.memref_slice %arg3[%add3A_255] : memref<100000xi32, #tpu.memory_space<hbm>> -> memref<128xi32, #tpu.memory_space<hbm>>
      tpu.wait_dma2 semaphore(%arg13 : memref<!tpu.dma_semaphore, #tpu.memory_space<semaphore_mem>>) src(%dma_wait3A_264 : memref<128xi32, #tpu.memory_space<hbm>>) dst(%dma_wait3A_263 : memref<128xi32, #tpu.memory_space<vmem>>)
      %dma_wait3A_265 = arith.constant 1 : i32
      %dma_wait3A_266 = arith.constant 0 : i32
      %dma_wait3A_267 = arith.constant 0 : i32
      %dma_wait3A_268 = tpu.memref_slice %arg6[%dma_wait3A_265, %dma_wait3A_266, %dma_wait3A_267] : memref<4x128x64xf32, #tpu.memory_space<vmem>> -> memref<1x128x64xf32, #tpu.memory_space<vmem>>
      %dma_wait3A_269 = tpu.memref_squeeze %dma_wait3A_268 : memref<1x128x64xf32, #tpu.memory_space<vmem>> -> memref<128x64xf32, #tpu.memory_space<vmem>>
      %dma_wait3A_270 = tpu.memref_slice %arg2[%add3A_255, %mul3A_0] : memref<100000x128xf32, #tpu.memory_space<hbm>> -> memref<128x64xf32, #tpu.memory_space<hbm>>
      %dma_wait3A_271 = arith.constant 0 : i32
      %dma_wait3A_272 = arith.constant 0 : i32
      %dma_wait3A_273 = tpu.memref_slice %arg6[%dma_wait3A_265, %dma_wait3A_271, %dma_wait3A_272] : memref<4x128x64xf32, #tpu.memory_space<vmem>> -> memref<1x128x64xf32, #tpu.memory_space<vmem>>
      %dma_wait3A_274 = tpu.memref_squeeze %dma_wait3A_273 : memref<1x128x64xf32, #tpu.memory_space<vmem>> -> memref<128x64xf32, #tpu.memory_space<vmem>>
      %dma_wait3A_275 = tpu.memref_slice %arg2[%add3A_255, %mul3A_0] : memref<100000x128xf32, #tpu.memory_space<hbm>> -> memref<128x64xf32, #tpu.memory_space<hbm>>
      tpu.wait_dma2 semaphore(%arg9 : memref<!tpu.dma_semaphore, #tpu.memory_space<semaphore_mem>>) src(%dma_wait3A_275 : memref<128x64xf32, #tpu.memory_space<hbm>>) dst(%dma_wait3A_274 : memref<128x64xf32, #tpu.memory_space<vmem>>)
      %run_scoped3A_276 = arith.constant 1 : i32
      %run_scoped3A_277 = arith.constant 1 : i32
      "tpu.region"() ({
        %run_scoped3A_363 = tpu.sem_alloc : memref<!tpu.dma_semaphore, #tpu.memory_space<semaphore_mem>>
        %dma_start3A_364 = arith.constant 0 : i32
        %dma_start3A_365 = arith.constant 0 : i32
        %dma_start3A_366 = tpu.memref_slice %arg6[%run_scoped3A_276, %dma_start3A_364, %dma_start3A_365] : memref<4x128x64xf32, #tpu.memory_space<vmem>> -> memref<1x128x64xf32, #tpu.memory_space<vmem>>
        %dma_start3A_367 = tpu.memref_squeeze %dma_start3A_366 : memref<1x128x64xf32, #tpu.memory_space<vmem>> -> memref<128x64xf32, #tpu.memory_space<vmem>>
        %dma_start3A_368 = arith.constant 0 : i32
        %dma_start3A_369 = tpu.memref_slice %arg7[%run_scoped3A_277, %dma_start3A_368] : memref<4x128xi32, #tpu.memory_space<vmem>> -> memref<1x128xi32, #tpu.memory_space<vmem>>
        %dma_start3A_370 = tpu.memref_squeeze %dma_start3A_369 : memref<1x128xi32, #tpu.memory_space<vmem>> -> memref<128xi32, #tpu.memory_space<vmem>>
        %dma_start3A_371 = arith.constant 0 : i32
        %dma_start3A_372 = arith.constant 0 : i32
        %dma_start3A_373 = tpu.memref_slice %arg5[%dma_start3A_371, %dma_start3A_372] : memref<512x64xf32, #tpu.memory_space<vmem_shared>> -> memref<512x64xf32, #tpu.memory_space<vmem_shared>>
        tpu.enqueue_indirect_dma source(%dma_start3A_367 : memref<128x64xf32, #tpu.memory_space<vmem>>) target(%dma_start3A_373 : memref<512x64xf32, #tpu.memory_space<vmem_shared>>) offsets(%dma_start3A_370 : memref<128xi32, #tpu.memory_space<vmem>>) semaphore(%run_scoped3A_363 : memref<!tpu.dma_semaphore, #tpu.memory_space<semaphore_mem>>) {add = true}
        %dma_wait3A_374 = arith.constant 0 : i32
        %dma_wait3A_375 = arith.constant 0 : i32
        %dma_wait3A_376 = tpu.memref_slice %arg6[%run_scoped3A_276, %dma_wait3A_374, %dma_wait3A_375] : memref<4x128x64xf32, #tpu.memory_space<vmem>> -> memref<1x128x64xf32, #tpu.memory_space<vmem>>
        %dma_wait3A_377 = tpu.memref_squeeze %dma_wait3A_376 : memref<1x128x64xf32, #tpu.memory_space<vmem>> -> memref<128x64xf32, #tpu.memory_space<vmem>>
        %dma_wait3A_378 = arith.constant 0 : i32
        %dma_wait3A_379 = tpu.memref_slice %arg7[%run_scoped3A_277, %dma_wait3A_378] : memref<4x128xi32, #tpu.memory_space<vmem>> -> memref<1x128xi32, #tpu.memory_space<vmem>>
        %dma_wait3A_380 = tpu.memref_squeeze %dma_wait3A_379 : memref<1x128xi32, #tpu.memory_space<vmem>> -> memref<128xi32, #tpu.memory_space<vmem>>
        %dma_wait3A_381 = arith.constant 0 : i32
        %dma_wait3A_382 = arith.constant 0 : i32
        %dma_wait3A_383 = tpu.memref_slice %arg5[%dma_wait3A_381, %dma_wait3A_382] : memref<512x64xf32, #tpu.memory_space<vmem_shared>> -> memref<512x64xf32, #tpu.memory_space<vmem_shared>>
        tpu.wait_indirect_dma semaphore(%run_scoped3A_363 : memref<!tpu.dma_semaphore, #tpu.memory_space<semaphore_mem>>) src(%dma_wait3A_377 : memref<128x64xf32, #tpu.memory_space<vmem>>) dst(%dma_wait3A_383 : memref<512x64xf32, #tpu.memory_space<vmem_shared>>)
        tpu.yield
      }) : () -> ()
      %add3A_278 = arith.constant 4 : i32
      %add3A_279 = arith.addi %add3A_252, %add3A_278 : i32
      %sub3A_280 = arith.constant 1 : i32
      %sub3A_281 = arith.subi %add3A_279, %sub3A_280 : i32
      %lt3A_282 = arith.constant 31 : i32
      %lt3A_283 = arith.cmpi slt, %sub3A_281, %lt3A_282 : i32
      %convert_element_type3A_284 = arith.extui %lt3A_283 : i1 to i32
      %cond3A_285 = arith.constant 0 : i32
      %cond3A_286 = arith.cmpi ne, %convert_element_type3A_284, %cond3A_285 : i32
      scf.if %cond3A_286 {
        %add3A_363 = arith.constant 4 : i32
        %add3A_364 = arith.addi %add3A_252, %add3A_363 : i32
        %sub3A_365 = arith.constant 1 : i32
        %sub3A_366 = arith.subi %add3A_364, %sub3A_365 : i32
        %mul3A_367 = arith.constant 128 : i32
        %mul3A_368 = arith.muli %sub3A_366, %mul3A_367 : i32
        %add3A_369 = arith.addi %add3A_3, %mul3A_368 : i32
        %dma_start3A_370 = arith.constant 0 : i32
        %dma_start3A_371 = arith.constant 0 : i32
        %dma_start3A_372 = tpu.memref_slice %arg7[%dma_start3A_370, %dma_start3A_371] : memref<4x128xi32, #tpu.memory_space<vmem>> -> memref<1x128xi32, #tpu.memory_space<vmem>>
        %dma_start3A_373 = tpu.memref_squeeze %dma_start3A_372 : memref<1x128xi32, #tpu.memory_space<vmem>> -> memref<128xi32, #tpu.memory_space<vmem>>
        %dma_start3A_374 = tpu.memref_slice %arg3[%add3A_369] : memref<100000xi32, #tpu.memory_space<hbm>> -> memref<128xi32, #tpu.memory_space<hbm>>
        %dma_start3A_375 = arith.constant 0 : i32
        %dma_start3A_376 = tpu.memref_slice %arg7[%dma_start3A_370, %dma_start3A_375] : memref<4x128xi32, #tpu.memory_space<vmem>> -> memref<1x128xi32, #tpu.memory_space<vmem>>
        %dma_start3A_377 = tpu.memref_squeeze %dma_start3A_376 : memref<1x128xi32, #tpu.memory_space<vmem>> -> memref<128xi32, #tpu.memory_space<vmem>>
        %dma_start3A_378 = tpu.memref_slice %arg3[%add3A_369] : memref<100000xi32, #tpu.memory_space<hbm>> -> memref<128xi32, #tpu.memory_space<hbm>>
        tpu.enqueue_dma source(%dma_start3A_378 : memref<128xi32, #tpu.memory_space<hbm>>) target(%dma_start3A_377 : memref<128xi32, #tpu.memory_space<vmem>>) target_semaphore(%arg12 : memref<!tpu.dma_semaphore, #tpu.memory_space<semaphore_mem>>)
        %dma_start3A_379 = arith.constant 0 : i32
        %dma_start3A_380 = arith.constant 0 : i32
        %dma_start3A_381 = arith.constant 0 : i32
        %dma_start3A_382 = tpu.memref_slice %arg6[%dma_start3A_379, %dma_start3A_380, %dma_start3A_381] : memref<4x128x64xf32, #tpu.memory_space<vmem>> -> memref<1x128x64xf32, #tpu.memory_space<vmem>>
        %dma_start3A_383 = tpu.memref_squeeze %dma_start3A_382 : memref<1x128x64xf32, #tpu.memory_space<vmem>> -> memref<128x64xf32, #tpu.memory_space<vmem>>
        %dma_start3A_384 = tpu.memref_slice %arg2[%add3A_369, %mul3A_0] : memref<100000x128xf32, #tpu.memory_space<hbm>> -> memref<128x64xf32, #tpu.memory_space<hbm>>
        %dma_start3A_385 = arith.constant 0 : i32
        %dma_start3A_386 = arith.constant 0 : i32
        %dma_start3A_387 = tpu.memref_slice %arg6[%dma_start3A_379, %dma_start3A_385, %dma_start3A_386] : memref<4x128x64xf32, #tpu.memory_space<vmem>> -> memref<1x128x64xf32, #tpu.memory_space<vmem>>
        %dma_start3A_388 = tpu.memref_squeeze %dma_start3A_387 : memref<1x128x64xf32, #tpu.memory_space<vmem>> -> memref<128x64xf32, #tpu.memory_space<vmem>>
        %dma_start3A_389 = tpu.memref_slice %arg2[%add3A_369, %mul3A_0] : memref<100000x128xf32, #tpu.memory_space<hbm>> -> memref<128x64xf32, #tpu.memory_space<hbm>>
        tpu.enqueue_dma source(%dma_start3A_389 : memref<128x64xf32, #tpu.memory_space<hbm>>) target(%dma_start3A_388 : memref<128x64xf32, #tpu.memory_space<vmem>>) target_semaphore(%arg8 : memref<!tpu.dma_semaphore, #tpu.memory_space<semaphore_mem>>)
      } else {
      }
      %mul3A_287 = arith.constant 4 : i32
      %mul3A_288 = arith.muli %mul3A_287, %scan3A_214 : i32
      %add3A_289 = arith.constant 2 : i32
      %add3A_290 = arith.addi %mul3A_288, %add3A_289 : i32
      %mul3A_291 = arith.constant 128 : i32
      %mul3A_292 = arith.muli %add3A_290, %mul3A_291 : i32
      %add3A_293 = arith.addi %add3A_3, %mul3A_292 : i32
      %dma_wait3A_294 = arith.constant 2 : i32
      %dma_wait3A_295 = arith.constant 0 : i32
      %dma_wait3A_296 = tpu.memref_slice %arg7[%dma_wait3A_294, %dma_wait3A_295] : memref<4x128xi32, #tpu.memory_space<vmem>> -> memref<1x128xi32, #tpu.memory_space<vmem>>
      %dma_wait3A_297 = tpu.memref_squeeze %dma_wait3A_296 : memref<1x128xi32, #tpu.memory_space<vmem>> -> memref<128xi32, #tpu.memory_space<vmem>>
      %dma_wait3A_298 = tpu.memref_slice %arg3[%add3A_293] : memref<100000xi32, #tpu.memory_space<hbm>> -> memref<128xi32, #tpu.memory_space<hbm>>
      %dma_wait3A_299 = arith.constant 0 : i32
      %dma_wait3A_300 = tpu.memref_slice %arg7[%dma_wait3A_294, %dma_wait3A_299] : memref<4x128xi32, #tpu.memory_space<vmem>> -> memref<1x128xi32, #tpu.memory_space<vmem>>
      %dma_wait3A_301 = tpu.memref_squeeze %dma_wait3A_300 : memref<1x128xi32, #tpu.memory_space<vmem>> -> memref<128xi32, #tpu.memory_space<vmem>>
      %dma_wait3A_302 = tpu.memref_slice %arg3[%add3A_293] : memref<100000xi32, #tpu.memory_space<hbm>> -> memref<128xi32, #tpu.memory_space<hbm>>
      tpu.wait_dma2 semaphore(%arg14 : memref<!tpu.dma_semaphore, #tpu.memory_space<semaphore_mem>>) src(%dma_wait3A_302 : memref<128xi32, #tpu.memory_space<hbm>>) dst(%dma_wait3A_301 : memref<128xi32, #tpu.memory_space<vmem>>)
      %dma_wait3A_303 = arith.constant 2 : i32
      %dma_wait3A_304 = arith.constant 0 : i32
      %dma_wait3A_305 = arith.constant 0 : i32
      %dma_wait3A_306 = tpu.memref_slice %arg6[%dma_wait3A_303, %dma_wait3A_304, %dma_wait3A_305] : memref<4x128x64xf32, #tpu.memory_space<vmem>> -> memref<1x128x64xf32, #tpu.memory_space<vmem>>
      %dma_wait3A_307 = tpu.memref_squeeze %dma_wait3A_306 : memref<1x128x64xf32, #tpu.memory_space<vmem>> -> memref<128x64xf32, #tpu.memory_space<vmem>>
      %dma_wait3A_308 = tpu.memref_slice %arg2[%add3A_293, %mul3A_0] : memref<100000x128xf32, #tpu.memory_space<hbm>> -> memref<128x64xf32, #tpu.memory_space<hbm>>
      %dma_wait3A_309 = arith.constant 0 : i32
      %dma_wait3A_310 = arith.constant 0 : i32
      %dma_wait3A_311 = tpu.memref_slice %arg6[%dma_wait3A_303, %dma_wait3A_309, %dma_wait3A_310] : memref<4x128x64xf32, #tpu.memory_space<vmem>> -> memref<1x128x64xf32, #tpu.memory_space<vmem>>
      %dma_wait3A_312 = tpu.memref_squeeze %dma_wait3A_311 : memref<1x128x64xf32, #tpu.memory_space<vmem>> -> memref<128x64xf32, #tpu.memory_space<vmem>>
      %dma_wait3A_313 = tpu.memref_slice %arg2[%add3A_293, %mul3A_0] : memref<100000x128xf32, #tpu.memory_space<hbm>> -> memref<128x64xf32, #tpu.memory_space<hbm>>
      tpu.wait_dma2 semaphore(%arg10 : memref<!tpu.dma_semaphore, #tpu.memory_space<semaphore_mem>>) src(%dma_wait3A_313 : memref<128x64xf32, #tpu.memory_space<hbm>>) dst(%dma_wait3A_312 : memref<128x64xf32, #tpu.memory_space<vmem>>)
      %run_scoped3A_314 = arith.constant 2 : i32
      %run_scoped3A_315 = arith.constant 2 : i32
      "tpu.region"() ({
        %run_scoped3A_363 = tpu.sem_alloc : memref<!tpu.dma_semaphore, #tpu.memory_space<semaphore_mem>>
        %dma_start3A_364 = arith.constant 0 : i32
        %dma_start3A_365 = arith.constant 0 : i32
        %dma_start3A_366 = tpu.memref_slice %arg6[%run_scoped3A_314, %dma_start3A_364, %dma_start3A_365] : memref<4x128x64xf32, #tpu.memory_space<vmem>> -> memref<1x128x64xf32, #tpu.memory_space<vmem>>
        %dma_start3A_367 = tpu.memref_squeeze %dma_start3A_366 : memref<1x128x64xf32, #tpu.memory_space<vmem>> -> memref<128x64xf32, #tpu.memory_space<vmem>>
        %dma_start3A_368 = arith.constant 0 : i32
        %dma_start3A_369 = tpu.memref_slice %arg7[%run_scoped3A_315, %dma_start3A_368] : memref<4x128xi32, #tpu.memory_space<vmem>> -> memref<1x128xi32, #tpu.memory_space<vmem>>
        %dma_start3A_370 = tpu.memref_squeeze %dma_start3A_369 : memref<1x128xi32, #tpu.memory_space<vmem>> -> memref<128xi32, #tpu.memory_space<vmem>>
        %dma_start3A_371 = arith.constant 0 : i32
        %dma_start3A_372 = arith.constant 0 : i32
        %dma_start3A_373 = tpu.memref_slice %arg5[%dma_start3A_371, %dma_start3A_372] : memref<512x64xf32, #tpu.memory_space<vmem_shared>> -> memref<512x64xf32, #tpu.memory_space<vmem_shared>>
        tpu.enqueue_indirect_dma source(%dma_start3A_367 : memref<128x64xf32, #tpu.memory_space<vmem>>) target(%dma_start3A_373 : memref<512x64xf32, #tpu.memory_space<vmem_shared>>) offsets(%dma_start3A_370 : memref<128xi32, #tpu.memory_space<vmem>>) semaphore(%run_scoped3A_363 : memref<!tpu.dma_semaphore, #tpu.memory_space<semaphore_mem>>) {add = true}
        %dma_wait3A_374 = arith.constant 0 : i32
        %dma_wait3A_375 = arith.constant 0 : i32
        %dma_wait3A_376 = tpu.memref_slice %arg6[%run_scoped3A_314, %dma_wait3A_374, %dma_wait3A_375] : memref<4x128x64xf32, #tpu.memory_space<vmem>> -> memref<1x128x64xf32, #tpu.memory_space<vmem>>
        %dma_wait3A_377 = tpu.memref_squeeze %dma_wait3A_376 : memref<1x128x64xf32, #tpu.memory_space<vmem>> -> memref<128x64xf32, #tpu.memory_space<vmem>>
        %dma_wait3A_378 = arith.constant 0 : i32
        %dma_wait3A_379 = tpu.memref_slice %arg7[%run_scoped3A_315, %dma_wait3A_378] : memref<4x128xi32, #tpu.memory_space<vmem>> -> memref<1x128xi32, #tpu.memory_space<vmem>>
        %dma_wait3A_380 = tpu.memref_squeeze %dma_wait3A_379 : memref<1x128xi32, #tpu.memory_space<vmem>> -> memref<128xi32, #tpu.memory_space<vmem>>
        %dma_wait3A_381 = arith.constant 0 : i32
        %dma_wait3A_382 = arith.constant 0 : i32
        %dma_wait3A_383 = tpu.memref_slice %arg5[%dma_wait3A_381, %dma_wait3A_382] : memref<512x64xf32, #tpu.memory_space<vmem_shared>> -> memref<512x64xf32, #tpu.memory_space<vmem_shared>>
        tpu.wait_indirect_dma semaphore(%run_scoped3A_363 : memref<!tpu.dma_semaphore, #tpu.memory_space<semaphore_mem>>) src(%dma_wait3A_377 : memref<128x64xf32, #tpu.memory_space<vmem>>) dst(%dma_wait3A_383 : memref<512x64xf32, #tpu.memory_space<vmem_shared>>)
        tpu.yield
      }) : () -> ()
      %add3A_316 = arith.constant 4 : i32
      %add3A_317 = arith.addi %add3A_290, %add3A_316 : i32
      %sub3A_318 = arith.constant 1 : i32
      %sub3A_319 = arith.subi %add3A_317, %sub3A_318 : i32
      %lt3A_320 = arith.constant 31 : i32
      %lt3A_321 = arith.cmpi slt, %sub3A_319, %lt3A_320 : i32
      %convert_element_type3A_322 = arith.extui %lt3A_321 : i1 to i32
      %cond3A_323 = arith.constant 0 : i32
      %cond3A_324 = arith.cmpi ne, %convert_element_type3A_322, %cond3A_323 : i32
      scf.if %cond3A_324 {
        %add3A_363 = arith.constant 4 : i32
        %add3A_364 = arith.addi %add3A_290, %add3A_363 : i32
        %sub3A_365 = arith.constant 1 : i32
        %sub3A_366 = arith.subi %add3A_364, %sub3A_365 : i32
        %mul3A_367 = arith.constant 128 : i32
        %mul3A_368 = arith.muli %sub3A_366, %mul3A_367 : i32
        %add3A_369 = arith.addi %add3A_3, %mul3A_368 : i32
        %dma_start3A_370 = arith.constant 1 : i32
        %dma_start3A_371 = arith.constant 0 : i32
        %dma_start3A_372 = tpu.memref_slice %arg7[%dma_start3A_370, %dma_start3A_371] : memref<4x128xi32, #tpu.memory_space<vmem>> -> memref<1x128xi32, #tpu.memory_space<vmem>>
        %dma_start3A_373 = tpu.memref_squeeze %dma_start3A_372 : memref<1x128xi32, #tpu.memory_space<vmem>> -> memref<128xi32, #tpu.memory_space<vmem>>
        %dma_start3A_374 = tpu.memref_slice %arg3[%add3A_369] : memref<100000xi32, #tpu.memory_space<hbm>> -> memref<128xi32, #tpu.memory_space<hbm>>
        %dma_start3A_375 = arith.constant 0 : i32
        %dma_start3A_376 = tpu.memref_slice %arg7[%dma_start3A_370, %dma_start3A_375] : memref<4x128xi32, #tpu.memory_space<vmem>> -> memref<1x128xi32, #tpu.memory_space<vmem>>
        %dma_start3A_377 = tpu.memref_squeeze %dma_start3A_376 : memref<1x128xi32, #tpu.memory_space<vmem>> -> memref<128xi32, #tpu.memory_space<vmem>>
        %dma_start3A_378 = tpu.memref_slice %arg3[%add3A_369] : memref<100000xi32, #tpu.memory_space<hbm>> -> memref<128xi32, #tpu.memory_space<hbm>>
        tpu.enqueue_dma source(%dma_start3A_378 : memref<128xi32, #tpu.memory_space<hbm>>) target(%dma_start3A_377 : memref<128xi32, #tpu.memory_space<vmem>>) target_semaphore(%arg13 : memref<!tpu.dma_semaphore, #tpu.memory_space<semaphore_mem>>)
        %dma_start3A_379 = arith.constant 1 : i32
        %dma_start3A_380 = arith.constant 0 : i32
        %dma_start3A_381 = arith.constant 0 : i32
        %dma_start3A_382 = tpu.memref_slice %arg6[%dma_start3A_379, %dma_start3A_380, %dma_start3A_381] : memref<4x128x64xf32, #tpu.memory_space<vmem>> -> memref<1x128x64xf32, #tpu.memory_space<vmem>>
        %dma_start3A_383 = tpu.memref_squeeze %dma_start3A_382 : memref<1x128x64xf32, #tpu.memory_space<vmem>> -> memref<128x64xf32, #tpu.memory_space<vmem>>
        %dma_start3A_384 = tpu.memref_slice %arg2[%add3A_369, %mul3A_0] : memref<100000x128xf32, #tpu.memory_space<hbm>> -> memref<128x64xf32, #tpu.memory_space<hbm>>
        %dma_start3A_385 = arith.constant 0 : i32
        %dma_start3A_386 = arith.constant 0 : i32
        %dma_start3A_387 = tpu.memref_slice %arg6[%dma_start3A_379, %dma_start3A_385, %dma_start3A_386] : memref<4x128x64xf32, #tpu.memory_space<vmem>> -> memref<1x128x64xf32, #tpu.memory_space<vmem>>
        %dma_start3A_388 = tpu.memref_squeeze %dma_start3A_387 : memref<1x128x64xf32, #tpu.memory_space<vmem>> -> memref<128x64xf32, #tpu.memory_space<vmem>>
        %dma_start3A_389 = tpu.memref_slice %arg2[%add3A_369, %mul3A_0] : memref<100000x128xf32, #tpu.memory_space<hbm>> -> memref<128x64xf32, #tpu.memory_space<hbm>>
        tpu.enqueue_dma source(%dma_start3A_389 : memref<128x64xf32, #tpu.memory_space<hbm>>) target(%dma_start3A_388 : memref<128x64xf32, #tpu.memory_space<vmem>>) target_semaphore(%arg9 : memref<!tpu.dma_semaphore, #tpu.memory_space<semaphore_mem>>)
      } else {
      }
      %mul3A_325 = arith.constant 4 : i32
      %mul3A_326 = arith.muli %mul3A_325, %scan3A_214 : i32
      %add3A_327 = arith.constant 3 : i32
      %add3A_328 = arith.addi %mul3A_326, %add3A_327 : i32
      %mul3A_329 = arith.constant 128 : i32
      %mul3A_330 = arith.muli %add3A_328, %mul3A_329 : i32
      %add3A_331 = arith.addi %add3A_3, %mul3A_330 : i32
      %dma_wait3A_332 = arith.constant 3 : i32
      %dma_wait3A_333 = arith.constant 0 : i32
      %dma_wait3A_334 = tpu.memref_slice %arg7[%dma_wait3A_332, %dma_wait3A_333] : memref<4x128xi32, #tpu.memory_space<vmem>> -> memref<1x128xi32, #tpu.memory_space<vmem>>
      %dma_wait3A_335 = tpu.memref_squeeze %dma_wait3A_334 : memref<1x128xi32, #tpu.memory_space<vmem>> -> memref<128xi32, #tpu.memory_space<vmem>>
      %dma_wait3A_336 = tpu.memref_slice %arg3[%add3A_331] : memref<100000xi32, #tpu.memory_space<hbm>> -> memref<128xi32, #tpu.memory_space<hbm>>
      %dma_wait3A_337 = arith.constant 0 : i32
      %dma_wait3A_338 = tpu.memref_slice %arg7[%dma_wait3A_332, %dma_wait3A_337] : memref<4x128xi32, #tpu.memory_space<vmem>> -> memref<1x128xi32, #tpu.memory_space<vmem>>
      %dma_wait3A_339 = tpu.memref_squeeze %dma_wait3A_338 : memref<1x128xi32, #tpu.memory_space<vmem>> -> memref<128xi32, #tpu.memory_space<vmem>>
      %dma_wait3A_340 = tpu.memref_slice %arg3[%add3A_331] : memref<100000xi32, #tpu.memory_space<hbm>> -> memref<128xi32, #tpu.memory_space<hbm>>
      tpu.wait_dma2 semaphore(%arg15 : memref<!tpu.dma_semaphore, #tpu.memory_space<semaphore_mem>>) src(%dma_wait3A_340 : memref<128xi32, #tpu.memory_space<hbm>>) dst(%dma_wait3A_339 : memref<128xi32, #tpu.memory_space<vmem>>)
      %dma_wait3A_341 = arith.constant 3 : i32
      %dma_wait3A_342 = arith.constant 0 : i32
      %dma_wait3A_343 = arith.constant 0 : i32
      %dma_wait3A_344 = tpu.memref_slice %arg6[%dma_wait3A_341, %dma_wait3A_342, %dma_wait3A_343] : memref<4x128x64xf32, #tpu.memory_space<vmem>> -> memref<1x128x64xf32, #tpu.memory_space<vmem>>
      %dma_wait3A_345 = tpu.memref_squeeze %dma_wait3A_344 : memref<1x128x64xf32, #tpu.memory_space<vmem>> -> memref<128x64xf32, #tpu.memory_space<vmem>>
      %dma_wait3A_346 = tpu.memref_slice %arg2[%add3A_331, %mul3A_0] : memref<100000x128xf32, #tpu.memory_space<hbm>> -> memref<128x64xf32, #tpu.memory_space<hbm>>
      %dma_wait3A_347 = arith.constant 0 : i32
      %dma_wait3A_348 = arith.constant 0 : i32
      %dma_wait3A_349 = tpu.memref_slice %arg6[%dma_wait3A_341, %dma_wait3A_347, %dma_wait3A_348] : memref<4x128x64xf32, #tpu.memory_space<vmem>> -> memref<1x128x64xf32, #tpu.memory_space<vmem>>
      %dma_wait3A_350 = tpu.memref_squeeze %dma_wait3A_349 : memref<1x128x64xf32, #tpu.memory_space<vmem>> -> memref<128x64xf32, #tpu.memory_space<vmem>>
      %dma_wait3A_351 = tpu.memref_slice %arg2[%add3A_331, %mul3A_0] : memref<100000x128xf32, #tpu.memory_space<hbm>> -> memref<128x64xf32, #tpu.memory_space<hbm>>
      tpu.wait_dma2 semaphore(%arg11 : memref<!tpu.dma_semaphore, #tpu.memory_space<semaphore_mem>>) src(%dma_wait3A_351 : memref<128x64xf32, #tpu.memory_space<hbm>>) dst(%dma_wait3A_350 : memref<128x64xf32, #tpu.memory_space<vmem>>)
      %run_scoped3A_352 = arith.constant 3 : i32
      %run_scoped3A_353 = arith.constant 3 : i32
      "tpu.region"() ({
        %run_scoped3A_363 = tpu.sem_alloc : memref<!tpu.dma_semaphore, #tpu.memory_space<semaphore_mem>>
        %dma_start3A_364 = arith.constant 0 : i32
        %dma_start3A_365 = arith.constant 0 : i32
        %dma_start3A_366 = tpu.memref_slice %arg6[%run_scoped3A_352, %dma_start3A_364, %dma_start3A_365] : memref<4x128x64xf32, #tpu.memory_space<vmem>> -> memref<1x128x64xf32, #tpu.memory_space<vmem>>
        %dma_start3A_367 = tpu.memref_squeeze %dma_start3A_366 : memref<1x128x64xf32, #tpu.memory_space<vmem>> -> memref<128x64xf32, #tpu.memory_space<vmem>>
        %dma_start3A_368 = arith.constant 0 : i32
        %dma_start3A_369 = tpu.memref_slice %arg7[%run_scoped3A_353, %dma_start3A_368] : memref<4x128xi32, #tpu.memory_space<vmem>> -> memref<1x128xi32, #tpu.memory_space<vmem>>
        %dma_start3A_370 = tpu.memref_squeeze %dma_start3A_369 : memref<1x128xi32, #tpu.memory_space<vmem>> -> memref<128xi32, #tpu.memory_space<vmem>>
        %dma_start3A_371 = arith.constant 0 : i32
        %dma_start3A_372 = arith.constant 0 : i32
        %dma_start3A_373 = tpu.memref_slice %arg5[%dma_start3A_371, %dma_start3A_372] : memref<512x64xf32, #tpu.memory_space<vmem_shared>> -> memref<512x64xf32, #tpu.memory_space<vmem_shared>>
        tpu.enqueue_indirect_dma source(%dma_start3A_367 : memref<128x64xf32, #tpu.memory_space<vmem>>) target(%dma_start3A_373 : memref<512x64xf32, #tpu.memory_space<vmem_shared>>) offsets(%dma_start3A_370 : memref<128xi32, #tpu.memory_space<vmem>>) semaphore(%run_scoped3A_363 : memref<!tpu.dma_semaphore, #tpu.memory_space<semaphore_mem>>) {add = true}
        %dma_wait3A_374 = arith.constant 0 : i32
        %dma_wait3A_375 = arith.constant 0 : i32
        %dma_wait3A_376 = tpu.memref_slice %arg6[%run_scoped3A_352, %dma_wait3A_374, %dma_wait3A_375] : memref<4x128x64xf32, #tpu.memory_space<vmem>> -> memref<1x128x64xf32, #tpu.memory_space<vmem>>
        %dma_wait3A_377 = tpu.memref_squeeze %dma_wait3A_376 : memref<1x128x64xf32, #tpu.memory_space<vmem>> -> memref<128x64xf32, #tpu.memory_space<vmem>>
        %dma_wait3A_378 = arith.constant 0 : i32
        %dma_wait3A_379 = tpu.memref_slice %arg7[%run_scoped3A_353, %dma_wait3A_378] : memref<4x128xi32, #tpu.memory_space<vmem>> -> memref<1x128xi32, #tpu.memory_space<vmem>>
        %dma_wait3A_380 = tpu.memref_squeeze %dma_wait3A_379 : memref<1x128xi32, #tpu.memory_space<vmem>> -> memref<128xi32, #tpu.memory_space<vmem>>
        %dma_wait3A_381 = arith.constant 0 : i32
        %dma_wait3A_382 = arith.constant 0 : i32
        %dma_wait3A_383 = tpu.memref_slice %arg5[%dma_wait3A_381, %dma_wait3A_382] : memref<512x64xf32, #tpu.memory_space<vmem_shared>> -> memref<512x64xf32, #tpu.memory_space<vmem_shared>>
        tpu.wait_indirect_dma semaphore(%run_scoped3A_363 : memref<!tpu.dma_semaphore, #tpu.memory_space<semaphore_mem>>) src(%dma_wait3A_377 : memref<128x64xf32, #tpu.memory_space<vmem>>) dst(%dma_wait3A_383 : memref<512x64xf32, #tpu.memory_space<vmem_shared>>)
        tpu.yield
      }) : () -> ()
      %add3A_354 = arith.constant 4 : i32
      %add3A_355 = arith.addi %add3A_328, %add3A_354 : i32
      %sub3A_356 = arith.constant 1 : i32
      %sub3A_357 = arith.subi %add3A_355, %sub3A_356 : i32
      %lt3A_358 = arith.constant 31 : i32
      %lt3A_359 = arith.cmpi slt, %sub3A_357, %lt3A_358 : i32
      %convert_element_type3A_360 = arith.extui %lt3A_359 : i1 to i32
      %cond3A_361 = arith.constant 0 : i32
      %cond3A_362 = arith.cmpi ne, %convert_element_type3A_360, %cond3A_361 : i32
      scf.if %cond3A_362 {
        %add3A_363 = arith.constant 4 : i32
        %add3A_364 = arith.addi %add3A_328, %add3A_363 : i32
        %sub3A_365 = arith.constant 1 : i32
        %sub3A_366 = arith.subi %add3A_364, %sub3A_365 : i32
        %mul3A_367 = arith.constant 128 : i32
        %mul3A_368 = arith.muli %sub3A_366, %mul3A_367 : i32
        %add3A_369 = arith.addi %add3A_3, %mul3A_368 : i32
        %dma_start3A_370 = arith.constant 2 : i32
        %dma_start3A_371 = arith.constant 0 : i32
        %dma_start3A_372 = tpu.memref_slice %arg7[%dma_start3A_370, %dma_start3A_371] : memref<4x128xi32, #tpu.memory_space<vmem>> -> memref<1x128xi32, #tpu.memory_space<vmem>>
        %dma_start3A_373 = tpu.memref_squeeze %dma_start3A_372 : memref<1x128xi32, #tpu.memory_space<vmem>> -> memref<128xi32, #tpu.memory_space<vmem>>
        %dma_start3A_374 = tpu.memref_slice %arg3[%add3A_369] : memref<100000xi32, #tpu.memory_space<hbm>> -> memref<128xi32, #tpu.memory_space<hbm>>
        %dma_start3A_375 = arith.constant 0 : i32
        %dma_start3A_376 = tpu.memref_slice %arg7[%dma_start3A_370, %dma_start3A_375] : memref<4x128xi32, #tpu.memory_space<vmem>> -> memref<1x128xi32, #tpu.memory_space<vmem>>
        %dma_start3A_377 = tpu.memref_squeeze %dma_start3A_376 : memref<1x128xi32, #tpu.memory_space<vmem>> -> memref<128xi32, #tpu.memory_space<vmem>>
        %dma_start3A_378 = tpu.memref_slice %arg3[%add3A_369] : memref<100000xi32, #tpu.memory_space<hbm>> -> memref<128xi32, #tpu.memory_space<hbm>>
        tpu.enqueue_dma source(%dma_start3A_378 : memref<128xi32, #tpu.memory_space<hbm>>) target(%dma_start3A_377 : memref<128xi32, #tpu.memory_space<vmem>>) target_semaphore(%arg14 : memref<!tpu.dma_semaphore, #tpu.memory_space<semaphore_mem>>)
        %dma_start3A_379 = arith.constant 2 : i32
        %dma_start3A_380 = arith.constant 0 : i32
        %dma_start3A_381 = arith.constant 0 : i32
        %dma_start3A_382 = tpu.memref_slice %arg6[%dma_start3A_379, %dma_start3A_380, %dma_start3A_381] : memref<4x128x64xf32, #tpu.memory_space<vmem>> -> memref<1x128x64xf32, #tpu.memory_space<vmem>>
        %dma_start3A_383 = tpu.memref_squeeze %dma_start3A_382 : memref<1x128x64xf32, #tpu.memory_space<vmem>> -> memref<128x64xf32, #tpu.memory_space<vmem>>
        %dma_start3A_384 = tpu.memref_slice %arg2[%add3A_369, %mul3A_0] : memref<100000x128xf32, #tpu.memory_space<hbm>> -> memref<128x64xf32, #tpu.memory_space<hbm>>
        %dma_start3A_385 = arith.constant 0 : i32
        %dma_start3A_386 = arith.constant 0 : i32
        %dma_start3A_387 = tpu.memref_slice %arg6[%dma_start3A_379, %dma_start3A_385, %dma_start3A_386] : memref<4x128x64xf32, #tpu.memory_space<vmem>> -> memref<1x128x64xf32, #tpu.memory_space<vmem>>
        %dma_start3A_388 = tpu.memref_squeeze %dma_start3A_387 : memref<1x128x64xf32, #tpu.memory_space<vmem>> -> memref<128x64xf32, #tpu.memory_space<vmem>>
        %dma_start3A_389 = tpu.memref_slice %arg2[%add3A_369, %mul3A_0] : memref<100000x128xf32, #tpu.memory_space<hbm>> -> memref<128x64xf32, #tpu.memory_space<hbm>>
        tpu.enqueue_dma source(%dma_start3A_389 : memref<128x64xf32, #tpu.memory_space<hbm>>) target(%dma_start3A_388 : memref<128x64xf32, #tpu.memory_space<vmem>>) target_semaphore(%arg10 : memref<!tpu.dma_semaphore, #tpu.memory_space<semaphore_mem>>)
      } else {
      }
    }
    %scan3A_137 = arith.constant 7 : i32
    %add3A_138 = arith.constant 3584 : i32
    %add3A_139 = arith.addi %add3A_3, %add3A_138 : i32
    %dma_wait3A = arith.constant 0 : i32
    %dma_wait3A_140 = arith.constant 0 : i32
    %dma_wait3A_141 = tpu.memref_slice %arg7[%dma_wait3A, %dma_wait3A_140] : memref<4x128xi32, #tpu.memory_space<vmem>> -> memref<1x128xi32, #tpu.memory_space<vmem>>
    %dma_wait3A_142 = tpu.memref_squeeze %dma_wait3A_141 : memref<1x128xi32, #tpu.memory_space<vmem>> -> memref<128xi32, #tpu.memory_space<vmem>>
    %dma_wait3A_143 = tpu.memref_slice %arg3[%add3A_139] : memref<100000xi32, #tpu.memory_space<hbm>> -> memref<128xi32, #tpu.memory_space<hbm>>
    %dma_wait3A_144 = arith.constant 0 : i32
    %dma_wait3A_145 = tpu.memref_slice %arg7[%dma_wait3A, %dma_wait3A_144] : memref<4x128xi32, #tpu.memory_space<vmem>> -> memref<1x128xi32, #tpu.memory_space<vmem>>
    %dma_wait3A_146 = tpu.memref_squeeze %dma_wait3A_145 : memref<1x128xi32, #tpu.memory_space<vmem>> -> memref<128xi32, #tpu.memory_space<vmem>>
    %dma_wait3A_147 = tpu.memref_slice %arg3[%add3A_139] : memref<100000xi32, #tpu.memory_space<hbm>> -> memref<128xi32, #tpu.memory_space<hbm>>
    tpu.wait_dma2 semaphore(%arg12 : memref<!tpu.dma_semaphore, #tpu.memory_space<semaphore_mem>>) src(%dma_wait3A_147 : memref<128xi32, #tpu.memory_space<hbm>>) dst(%dma_wait3A_146 : memref<128xi32, #tpu.memory_space<vmem>>)
    %dma_wait3A_148 = arith.constant 0 : i32
    %dma_wait3A_149 = arith.constant 0 : i32
    %dma_wait3A_150 = arith.constant 0 : i32
    %dma_wait3A_151 = tpu.memref_slice %arg6[%dma_wait3A_148, %dma_wait3A_149, %dma_wait3A_150] : memref<4x128x64xf32, #tpu.memory_space<vmem>> -> memref<1x128x64xf32, #tpu.memory_space<vmem>>
    %dma_wait3A_152 = tpu.memref_squeeze %dma_wait3A_151 : memref<1x128x64xf32, #tpu.memory_space<vmem>> -> memref<128x64xf32, #tpu.memory_space<vmem>>
    %dma_wait3A_153 = tpu.memref_slice %arg2[%add3A_139, %mul3A_0] : memref<100000x128xf32, #tpu.memory_space<hbm>> -> memref<128x64xf32, #tpu.memory_space<hbm>>
    %dma_wait3A_154 = arith.constant 0 : i32
    %dma_wait3A_155 = arith.constant 0 : i32
    %dma_wait3A_156 = tpu.memref_slice %arg6[%dma_wait3A_148, %dma_wait3A_154, %dma_wait3A_155] : memref<4x128x64xf32, #tpu.memory_space<vmem>> -> memref<1x128x64xf32, #tpu.memory_space<vmem>>
    %dma_wait3A_157 = tpu.memref_squeeze %dma_wait3A_156 : memref<1x128x64xf32, #tpu.memory_space<vmem>> -> memref<128x64xf32, #tpu.memory_space<vmem>>
    %dma_wait3A_158 = tpu.memref_slice %arg2[%add3A_139, %mul3A_0] : memref<100000x128xf32, #tpu.memory_space<hbm>> -> memref<128x64xf32, #tpu.memory_space<hbm>>
    tpu.wait_dma2 semaphore(%arg8 : memref<!tpu.dma_semaphore, #tpu.memory_space<semaphore_mem>>) src(%dma_wait3A_158 : memref<128x64xf32, #tpu.memory_space<hbm>>) dst(%dma_wait3A_157 : memref<128x64xf32, #tpu.memory_space<vmem>>)
    %run_scoped3A_159 = arith.constant 0 : i32
    %run_scoped3A_160 = arith.constant 0 : i32
    "tpu.region"() ({
      %run_scoped3A_214 = tpu.sem_alloc : memref<!tpu.dma_semaphore, #tpu.memory_space<semaphore_mem>>
      %dma_start3A_215 = arith.constant 0 : i32
      %dma_start3A_216 = arith.constant 0 : i32
      %dma_start3A_217 = tpu.memref_slice %arg6[%run_scoped3A_159, %dma_start3A_215, %dma_start3A_216] : memref<4x128x64xf32, #tpu.memory_space<vmem>> -> memref<1x128x64xf32, #tpu.memory_space<vmem>>
      %dma_start3A_218 = tpu.memref_squeeze %dma_start3A_217 : memref<1x128x64xf32, #tpu.memory_space<vmem>> -> memref<128x64xf32, #tpu.memory_space<vmem>>
      %dma_start3A_219 = arith.constant 0 : i32
      %dma_start3A_220 = tpu.memref_slice %arg7[%run_scoped3A_160, %dma_start3A_219] : memref<4x128xi32, #tpu.memory_space<vmem>> -> memref<1x128xi32, #tpu.memory_space<vmem>>
      %dma_start3A_221 = tpu.memref_squeeze %dma_start3A_220 : memref<1x128xi32, #tpu.memory_space<vmem>> -> memref<128xi32, #tpu.memory_space<vmem>>
      %dma_start3A_222 = arith.constant 0 : i32
      %dma_start3A_223 = arith.constant 0 : i32
      %dma_start3A_224 = tpu.memref_slice %arg5[%dma_start3A_222, %dma_start3A_223] : memref<512x64xf32, #tpu.memory_space<vmem_shared>> -> memref<512x64xf32, #tpu.memory_space<vmem_shared>>
      tpu.enqueue_indirect_dma source(%dma_start3A_218 : memref<128x64xf32, #tpu.memory_space<vmem>>) target(%dma_start3A_224 : memref<512x64xf32, #tpu.memory_space<vmem_shared>>) offsets(%dma_start3A_221 : memref<128xi32, #tpu.memory_space<vmem>>) semaphore(%run_scoped3A_214 : memref<!tpu.dma_semaphore, #tpu.memory_space<semaphore_mem>>) {add = true}
      %dma_wait3A_225 = arith.constant 0 : i32
      %dma_wait3A_226 = arith.constant 0 : i32
      %dma_wait3A_227 = tpu.memref_slice %arg6[%run_scoped3A_159, %dma_wait3A_225, %dma_wait3A_226] : memref<4x128x64xf32, #tpu.memory_space<vmem>> -> memref<1x128x64xf32, #tpu.memory_space<vmem>>
      %dma_wait3A_228 = tpu.memref_squeeze %dma_wait3A_227 : memref<1x128x64xf32, #tpu.memory_space<vmem>> -> memref<128x64xf32, #tpu.memory_space<vmem>>
      %dma_wait3A_229 = arith.constant 0 : i32
      %dma_wait3A_230 = tpu.memref_slice %arg7[%run_scoped3A_160, %dma_wait3A_229] : memref<4x128xi32, #tpu.memory_space<vmem>> -> memref<1x128xi32, #tpu.memory_space<vmem>>
      %dma_wait3A_231 = tpu.memref_squeeze %dma_wait3A_230 : memref<1x128xi32, #tpu.memory_space<vmem>> -> memref<128xi32, #tpu.memory_space<vmem>>
      %dma_wait3A_232 = arith.constant 0 : i32
      %dma_wait3A_233 = arith.constant 0 : i32
      %dma_wait3A_234 = tpu.memref_slice %arg5[%dma_wait3A_232, %dma_wait3A_233] : memref<512x64xf32, #tpu.memory_space<vmem_shared>> -> memref<512x64xf32, #tpu.memory_space<vmem_shared>>
      tpu.wait_indirect_dma semaphore(%run_scoped3A_214 : memref<!tpu.dma_semaphore, #tpu.memory_space<semaphore_mem>>) src(%dma_wait3A_228 : memref<128x64xf32, #tpu.memory_space<vmem>>) dst(%dma_wait3A_234 : memref<512x64xf32, #tpu.memory_space<vmem_shared>>)
      tpu.yield
    }) : () -> ()
    %add3A_161 = arith.constant 3712 : i32
    %add3A_162 = arith.addi %add3A_3, %add3A_161 : i32
    %dma_wait3A_163 = arith.constant 1 : i32
    %dma_wait3A_164 = arith.constant 0 : i32
    %dma_wait3A_165 = tpu.memref_slice %arg7[%dma_wait3A_163, %dma_wait3A_164] : memref<4x128xi32, #tpu.memory_space<vmem>> -> memref<1x128xi32, #tpu.memory_space<vmem>>
    %dma_wait3A_166 = tpu.memref_squeeze %dma_wait3A_165 : memref<1x128xi32, #tpu.memory_space<vmem>> -> memref<128xi32, #tpu.memory_space<vmem>>
    %dma_wait3A_167 = tpu.memref_slice %arg3[%add3A_162] : memref<100000xi32, #tpu.memory_space<hbm>> -> memref<128xi32, #tpu.memory_space<hbm>>
    %dma_wait3A_168 = arith.constant 0 : i32
    %dma_wait3A_169 = tpu.memref_slice %arg7[%dma_wait3A_163, %dma_wait3A_168] : memref<4x128xi32, #tpu.memory_space<vmem>> -> memref<1x128xi32, #tpu.memory_space<vmem>>
    %dma_wait3A_170 = tpu.memref_squeeze %dma_wait3A_169 : memref<1x128xi32, #tpu.memory_space<vmem>> -> memref<128xi32, #tpu.memory_space<vmem>>
    %dma_wait3A_171 = tpu.memref_slice %arg3[%add3A_162] : memref<100000xi32, #tpu.memory_space<hbm>> -> memref<128xi32, #tpu.memory_space<hbm>>
    tpu.wait_dma2 semaphore(%arg13 : memref<!tpu.dma_semaphore, #tpu.memory_space<semaphore_mem>>) src(%dma_wait3A_171 : memref<128xi32, #tpu.memory_space<hbm>>) dst(%dma_wait3A_170 : memref<128xi32, #tpu.memory_space<vmem>>)
    %dma_wait3A_172 = arith.constant 1 : i32
    %dma_wait3A_173 = arith.constant 0 : i32
    %dma_wait3A_174 = arith.constant 0 : i32
    %dma_wait3A_175 = tpu.memref_slice %arg6[%dma_wait3A_172, %dma_wait3A_173, %dma_wait3A_174] : memref<4x128x64xf32, #tpu.memory_space<vmem>> -> memref<1x128x64xf32, #tpu.memory_space<vmem>>
    %dma_wait3A_176 = tpu.memref_squeeze %dma_wait3A_175 : memref<1x128x64xf32, #tpu.memory_space<vmem>> -> memref<128x64xf32, #tpu.memory_space<vmem>>
    %dma_wait3A_177 = tpu.memref_slice %arg2[%add3A_162, %mul3A_0] : memref<100000x128xf32, #tpu.memory_space<hbm>> -> memref<128x64xf32, #tpu.memory_space<hbm>>
    %dma_wait3A_178 = arith.constant 0 : i32
    %dma_wait3A_179 = arith.constant 0 : i32
    %dma_wait3A_180 = tpu.memref_slice %arg6[%dma_wait3A_172, %dma_wait3A_178, %dma_wait3A_179] : memref<4x128x64xf32, #tpu.memory_space<vmem>> -> memref<1x128x64xf32, #tpu.memory_space<vmem>>
    %dma_wait3A_181 = tpu.memref_squeeze %dma_wait3A_180 : memref<1x128x64xf32, #tpu.memory_space<vmem>> -> memref<128x64xf32, #tpu.memory_space<vmem>>
    %dma_wait3A_182 = tpu.memref_slice %arg2[%add3A_162, %mul3A_0] : memref<100000x128xf32, #tpu.memory_space<hbm>> -> memref<128x64xf32, #tpu.memory_space<hbm>>
    tpu.wait_dma2 semaphore(%arg9 : memref<!tpu.dma_semaphore, #tpu.memory_space<semaphore_mem>>) src(%dma_wait3A_182 : memref<128x64xf32, #tpu.memory_space<hbm>>) dst(%dma_wait3A_181 : memref<128x64xf32, #tpu.memory_space<vmem>>)
    %run_scoped3A_183 = arith.constant 1 : i32
    %run_scoped3A_184 = arith.constant 1 : i32
    "tpu.region"() ({
      %run_scoped3A_214 = tpu.sem_alloc : memref<!tpu.dma_semaphore, #tpu.memory_space<semaphore_mem>>
      %dma_start3A_215 = arith.constant 0 : i32
      %dma_start3A_216 = arith.constant 0 : i32
      %dma_start3A_217 = tpu.memref_slice %arg6[%run_scoped3A_183, %dma_start3A_215, %dma_start3A_216] : memref<4x128x64xf32, #tpu.memory_space<vmem>> -> memref<1x128x64xf32, #tpu.memory_space<vmem>>
      %dma_start3A_218 = tpu.memref_squeeze %dma_start3A_217 : memref<1x128x64xf32, #tpu.memory_space<vmem>> -> memref<128x64xf32, #tpu.memory_space<vmem>>
      %dma_start3A_219 = arith.constant 0 : i32
      %dma_start3A_220 = tpu.memref_slice %arg7[%run_scoped3A_184, %dma_start3A_219] : memref<4x128xi32, #tpu.memory_space<vmem>> -> memref<1x128xi32, #tpu.memory_space<vmem>>
      %dma_start3A_221 = tpu.memref_squeeze %dma_start3A_220 : memref<1x128xi32, #tpu.memory_space<vmem>> -> memref<128xi32, #tpu.memory_space<vmem>>
      %dma_start3A_222 = arith.constant 0 : i32
      %dma_start3A_223 = arith.constant 0 : i32
      %dma_start3A_224 = tpu.memref_slice %arg5[%dma_start3A_222, %dma_start3A_223] : memref<512x64xf32, #tpu.memory_space<vmem_shared>> -> memref<512x64xf32, #tpu.memory_space<vmem_shared>>
      tpu.enqueue_indirect_dma source(%dma_start3A_218 : memref<128x64xf32, #tpu.memory_space<vmem>>) target(%dma_start3A_224 : memref<512x64xf32, #tpu.memory_space<vmem_shared>>) offsets(%dma_start3A_221 : memref<128xi32, #tpu.memory_space<vmem>>) semaphore(%run_scoped3A_214 : memref<!tpu.dma_semaphore, #tpu.memory_space<semaphore_mem>>) {add = true}
      %dma_wait3A_225 = arith.constant 0 : i32
      %dma_wait3A_226 = arith.constant 0 : i32
      %dma_wait3A_227 = tpu.memref_slice %arg6[%run_scoped3A_183, %dma_wait3A_225, %dma_wait3A_226] : memref<4x128x64xf32, #tpu.memory_space<vmem>> -> memref<1x128x64xf32, #tpu.memory_space<vmem>>
      %dma_wait3A_228 = tpu.memref_squeeze %dma_wait3A_227 : memref<1x128x64xf32, #tpu.memory_space<vmem>> -> memref<128x64xf32, #tpu.memory_space<vmem>>
      %dma_wait3A_229 = arith.constant 0 : i32
      %dma_wait3A_230 = tpu.memref_slice %arg7[%run_scoped3A_184, %dma_wait3A_229] : memref<4x128xi32, #tpu.memory_space<vmem>> -> memref<1x128xi32, #tpu.memory_space<vmem>>
      %dma_wait3A_231 = tpu.memref_squeeze %dma_wait3A_230 : memref<1x128xi32, #tpu.memory_space<vmem>> -> memref<128xi32, #tpu.memory_space<vmem>>
      %dma_wait3A_232 = arith.constant 0 : i32
      %dma_wait3A_233 = arith.constant 0 : i32
      %dma_wait3A_234 = tpu.memref_slice %arg5[%dma_wait3A_232, %dma_wait3A_233] : memref<512x64xf32, #tpu.memory_space<vmem_shared>> -> memref<512x64xf32, #tpu.memory_space<vmem_shared>>
      tpu.wait_indirect_dma semaphore(%run_scoped3A_214 : memref<!tpu.dma_semaphore, #tpu.memory_space<semaphore_mem>>) src(%dma_wait3A_228 : memref<128x64xf32, #tpu.memory_space<vmem>>) dst(%dma_wait3A_234 : memref<512x64xf32, #tpu.memory_space<vmem_shared>>)
      tpu.yield
    }) : () -> ()
    %add3A_185 = arith.constant 3840 : i32
    %add3A_186 = arith.addi %add3A_3, %add3A_185 : i32
    %dma_wait3A_187 = arith.constant 2 : i32
    %dma_wait3A_188 = arith.constant 0 : i32
    %dma_wait3A_189 = tpu.memref_slice %arg7[%dma_wait3A_187, %dma_wait3A_188] : memref<4x128xi32, #tpu.memory_space<vmem>> -> memref<1x128xi32, #tpu.memory_space<vmem>>
    %dma_wait3A_190 = tpu.memref_squeeze %dma_wait3A_189 : memref<1x128xi32, #tpu.memory_space<vmem>> -> memref<128xi32, #tpu.memory_space<vmem>>
    %dma_wait3A_191 = tpu.memref_slice %arg3[%add3A_186] : memref<100000xi32, #tpu.memory_space<hbm>> -> memref<128xi32, #tpu.memory_space<hbm>>
    %dma_wait3A_192 = arith.constant 0 : i32
    %dma_wait3A_193 = tpu.memref_slice %arg7[%dma_wait3A_187, %dma_wait3A_192] : memref<4x128xi32, #tpu.memory_space<vmem>> -> memref<1x128xi32, #tpu.memory_space<vmem>>
    %dma_wait3A_194 = tpu.memref_squeeze %dma_wait3A_193 : memref<1x128xi32, #tpu.memory_space<vmem>> -> memref<128xi32, #tpu.memory_space<vmem>>
    %dma_wait3A_195 = tpu.memref_slice %arg3[%add3A_186] : memref<100000xi32, #tpu.memory_space<hbm>> -> memref<128xi32, #tpu.memory_space<hbm>>
    tpu.wait_dma2 semaphore(%arg14 : memref<!tpu.dma_semaphore, #tpu.memory_space<semaphore_mem>>) src(%dma_wait3A_195 : memref<128xi32, #tpu.memory_space<hbm>>) dst(%dma_wait3A_194 : memref<128xi32, #tpu.memory_space<vmem>>)
    %dma_wait3A_196 = arith.constant 2 : i32
    %dma_wait3A_197 = arith.constant 0 : i32
    %dma_wait3A_198 = arith.constant 0 : i32
    %dma_wait3A_199 = tpu.memref_slice %arg6[%dma_wait3A_196, %dma_wait3A_197, %dma_wait3A_198] : memref<4x128x64xf32, #tpu.memory_space<vmem>> -> memref<1x128x64xf32, #tpu.memory_space<vmem>>
    %dma_wait3A_200 = tpu.memref_squeeze %dma_wait3A_199 : memref<1x128x64xf32, #tpu.memory_space<vmem>> -> memref<128x64xf32, #tpu.memory_space<vmem>>
    %dma_wait3A_201 = tpu.memref_slice %arg2[%add3A_186, %mul3A_0] : memref<100000x128xf32, #tpu.memory_space<hbm>> -> memref<128x64xf32, #tpu.memory_space<hbm>>
    %dma_wait3A_202 = arith.constant 0 : i32
    %dma_wait3A_203 = arith.constant 0 : i32
    %dma_wait3A_204 = tpu.memref_slice %arg6[%dma_wait3A_196, %dma_wait3A_202, %dma_wait3A_203] : memref<4x128x64xf32, #tpu.memory_space<vmem>> -> memref<1x128x64xf32, #tpu.memory_space<vmem>>
    %dma_wait3A_205 = tpu.memref_squeeze %dma_wait3A_204 : memref<1x128x64xf32, #tpu.memory_space<vmem>> -> memref<128x64xf32, #tpu.memory_space<vmem>>
    %dma_wait3A_206 = tpu.memref_slice %arg2[%add3A_186, %mul3A_0] : memref<100000x128xf32, #tpu.memory_space<hbm>> -> memref<128x64xf32, #tpu.memory_space<hbm>>
    tpu.wait_dma2 semaphore(%arg10 : memref<!tpu.dma_semaphore, #tpu.memory_space<semaphore_mem>>) src(%dma_wait3A_206 : memref<128x64xf32, #tpu.memory_space<hbm>>) dst(%dma_wait3A_205 : memref<128x64xf32, #tpu.memory_space<vmem>>)
    %run_scoped3A_207 = arith.constant 2 : i32
    %run_scoped3A_208 = arith.constant 2 : i32
    "tpu.region"() ({
      %run_scoped3A_214 = tpu.sem_alloc : memref<!tpu.dma_semaphore, #tpu.memory_space<semaphore_mem>>
      %dma_start3A_215 = arith.constant 0 : i32
      %dma_start3A_216 = arith.constant 0 : i32
      %dma_start3A_217 = tpu.memref_slice %arg6[%run_scoped3A_207, %dma_start3A_215, %dma_start3A_216] : memref<4x128x64xf32, #tpu.memory_space<vmem>> -> memref<1x128x64xf32, #tpu.memory_space<vmem>>
      %dma_start3A_218 = tpu.memref_squeeze %dma_start3A_217 : memref<1x128x64xf32, #tpu.memory_space<vmem>> -> memref<128x64xf32, #tpu.memory_space<vmem>>
      %dma_start3A_219 = arith.constant 0 : i32
      %dma_start3A_220 = tpu.memref_slice %arg7[%run_scoped3A_208, %dma_start3A_219] : memref<4x128xi32, #tpu.memory_space<vmem>> -> memref<1x128xi32, #tpu.memory_space<vmem>>
      %dma_start3A_221 = tpu.memref_squeeze %dma_start3A_220 : memref<1x128xi32, #tpu.memory_space<vmem>> -> memref<128xi32, #tpu.memory_space<vmem>>
      %dma_start3A_222 = arith.constant 0 : i32
      %dma_start3A_223 = arith.constant 0 : i32
      %dma_start3A_224 = tpu.memref_slice %arg5[%dma_start3A_222, %dma_start3A_223] : memref<512x64xf32, #tpu.memory_space<vmem_shared>> -> memref<512x64xf32, #tpu.memory_space<vmem_shared>>
      tpu.enqueue_indirect_dma source(%dma_start3A_218 : memref<128x64xf32, #tpu.memory_space<vmem>>) target(%dma_start3A_224 : memref<512x64xf32, #tpu.memory_space<vmem_shared>>) offsets(%dma_start3A_221 : memref<128xi32, #tpu.memory_space<vmem>>) semaphore(%run_scoped3A_214 : memref<!tpu.dma_semaphore, #tpu.memory_space<semaphore_mem>>) {add = true}
      %dma_wait3A_225 = arith.constant 0 : i32
      %dma_wait3A_226 = arith.constant 0 : i32
      %dma_wait3A_227 = tpu.memref_slice %arg6[%run_scoped3A_207, %dma_wait3A_225, %dma_wait3A_226] : memref<4x128x64xf32, #tpu.memory_space<vmem>> -> memref<1x128x64xf32, #tpu.memory_space<vmem>>
      %dma_wait3A_228 = tpu.memref_squeeze %dma_wait3A_227 : memref<1x128x64xf32, #tpu.memory_space<vmem>> -> memref<128x64xf32, #tpu.memory_space<vmem>>
      %dma_wait3A_229 = arith.constant 0 : i32
      %dma_wait3A_230 = tpu.memref_slice %arg7[%run_scoped3A_208, %dma_wait3A_229] : memref<4x128xi32, #tpu.memory_space<vmem>> -> memref<1x128xi32, #tpu.memory_space<vmem>>
      %dma_wait3A_231 = tpu.memref_squeeze %dma_wait3A_230 : memref<1x128xi32, #tpu.memory_space<vmem>> -> memref<128xi32, #tpu.memory_space<vmem>>
      %dma_wait3A_232 = arith.constant 0 : i32
      %dma_wait3A_233 = arith.constant 0 : i32
      %dma_wait3A_234 = tpu.memref_slice %arg5[%dma_wait3A_232, %dma_wait3A_233] : memref<512x64xf32, #tpu.memory_space<vmem_shared>> -> memref<512x64xf32, #tpu.memory_space<vmem_shared>>
      tpu.wait_indirect_dma semaphore(%run_scoped3A_214 : memref<!tpu.dma_semaphore, #tpu.memory_space<semaphore_mem>>) src(%dma_wait3A_228 : memref<128x64xf32, #tpu.memory_space<vmem>>) dst(%dma_wait3A_234 : memref<512x64xf32, #tpu.memory_space<vmem_shared>>)
      tpu.yield
    }) : () -> ()
    %barrier3A_209 = arith.constant 0 : index
    tpu.barrier barrier_id(%barrier3A_209)
    %mul3A_210 = arith.constant 32 : i32
    %mul3A_211 = arith.muli %arg1, %mul3A_210 : i32
    %mul3A_212 = arith.constant 32 : i32
    %mul3A_213 = arith.muli %arg1, %mul3A_212 : i32
    "tpu.region"() ({
      %run_scoped3A_214 = tpu.sem_alloc : memref<!tpu.dma_semaphore, #tpu.memory_space<semaphore_mem>>
      %dma_start3A_215 = tpu.memref_slice %arg4[%mul3A_213, %mul3A_0] : memref<512x128xf32, #tpu.memory_space<hbm>> -> memref<32x64xf32, #tpu.memory_space<hbm>>
      %dma_start3A_216 = arith.constant 0 : i32
      %dma_start3A_217 = tpu.memref_slice %arg5[%mul3A_211, %dma_start3A_216] : memref<512x64xf32, #tpu.memory_space<vmem_shared>> -> memref<32x64xf32, #tpu.memory_space<vmem_shared>>
      tpu.enqueue_dma source(%dma_start3A_217 : memref<32x64xf32, #tpu.memory_space<vmem_shared>>) target(%dma_start3A_215 : memref<32x64xf32, #tpu.memory_space<hbm>>) target_semaphore(%run_scoped3A_214 : memref<!tpu.dma_semaphore, #tpu.memory_space<semaphore_mem>>)
      %dma_wait3A_218 = tpu.memref_slice %arg4[%mul3A_213, %mul3A_0] : memref<512x128xf32, #tpu.memory_space<hbm>> -> memref<32x64xf32, #tpu.memory_space<hbm>>
      %dma_wait3A_219 = arith.constant 0 : i32
      %dma_wait3A_220 = tpu.memref_slice %arg5[%mul3A_211, %dma_wait3A_219] : memref<512x64xf32, #tpu.memory_space<vmem_shared>> -> memref<32x64xf32, #tpu.memory_space<vmem_shared>>
      tpu.wait_dma2 semaphore(%run_scoped3A_214 : memref<!tpu.dma_semaphore, #tpu.memory_space<semaphore_mem>>) src(%dma_wait3A_220 : memref<32x64xf32, #tpu.memory_space<vmem_shared>>) dst(%dma_wait3A_218 : memref<32x64xf32, #tpu.memory_space<hbm>>)
      tpu.yield
    }) : () -> ()
    return
  }
}

module attributes {stable_mosaic.version = 14 : i64} {
  func.func @_add_body(%arg0: memref<512x128xf32, #tpu.memory_space<vmem>>, %arg1: memref<512x128xf32, #tpu.memory_space<vmem>>, %arg2: memref<512x128xf32, #tpu.memory_space<vmem>>) attributes {dimension_semantics = [], scalar_prefetch = 0 : i64, scratch_operands = 0 : i64, tpu.core_type = #tpu.core_type<tc>} {
    %get3A = arith.constant 0 : index
    %get3A_0 = arith.constant 0 : index
    %get3A_1 = vector.load %arg0[%get3A, %get3A_0] : memref<512x128xf32, #tpu.memory_space<vmem>>, vector<512x128xf32>
    %get3A_2 = arith.constant 0 : index
    %get3A_3 = arith.constant 0 : index
    %get3A_4 = vector.load %arg1[%get3A_2, %get3A_3] : memref<512x128xf32, #tpu.memory_space<vmem>>, vector<512x128xf32>
    %add3A = arith.addf %get3A_1, %get3A_4 : vector<512x128xf32>
    %swap3A = arith.constant 0 : index
    %swap3A_5 = arith.constant 0 : index
    %swap3A_6 = vector.load %arg2[%swap3A, %swap3A_5] : memref<512x128xf32, #tpu.memory_space<vmem>>, vector<512x128xf32>
    tpu.vector_store %arg2[%swap3A, %swap3A_5], %add3A {strides = array<i32>} : memref<512x128xf32, #tpu.memory_space<vmem>>, vector<512x128xf32>,
    return
  }
}

module attributes {stable_mosaic.version = 14 : i64} {
  func.func @_tc_body(%arg0: i32, %arg1: memref<1x1x2048xi32, #tpu.memory_space<vmem>>, %arg2: memref<2048x128xf32, #tpu.memory_space<vmem>>, %arg3: memref<512x128xf32, #tpu.memory_space<vmem>>) attributes {dimension_semantics = [#tpu.dimension_semantics<arbitrary>], iteration_bounds = array<i64: 17>, scalar_prefetch = 0 : i64, scratch_operands = 0 : i64, tpu.core_type = #tpu.core_type<tc>, window_params = [{transform_indices = @transform_0, window_bounds = array<i64: 1, 1, 2048>}, {transform_indices = @transform_1, window_bounds = array<i64: 2048, 128>}, {pipeline_mode = #tpu.pipeline_mode<synchronous>, transform_indices = @transform_2, window_bounds = array<i64: 512, 128>}]} {
    %get3A = arith.constant 0 : index
    %get3A_0 = arith.constant 0 : index
    %get3A_1 = arith.constant 0 : index
    %get3A_2 = vector.load %arg1[%get3A, %get3A_0, %get3A_1] : memref<1x1x2048xi32, #tpu.memory_space<vmem>>, vector<1x1x2048xi32>
    %get3A_3 = vector.shape_cast %get3A_2 : vector<1x1x2048xi32> to vector<2048xi32>
    %broadcast_in_dim3A = vector.shape_cast %get3A_3 : vector<2048xi32> to vector<2048x1xi32>
    %iota3A = tpu.iota {dimensions = array<i32: 1>} : vector<2048x512xi32>
    %eq3A = vector.broadcast %broadcast_in_dim3A : vector<2048x1xi32> to vector<2048x512xi32>
    %eq3A_4 = arith.cmpi eq, %eq3A, %iota3A : vector<2048x512xi32>
    %convert_element_type3A = arith.extui %eq3A_4 : vector<2048x512xi1> to vector<2048x512xi32>
    %convert_element_type3A_5 = arith.sitofp %convert_element_type3A : vector<2048x512xi32> to vector<2048x512xf32>
    %get3A_6 = arith.constant 0 : index
    %get3A_7 = arith.constant 0 : index
    %get3A_8 = vector.load %arg2[%get3A_6, %get3A_7] : memref<2048x128xf32, #tpu.memory_space<vmem>>, vector<2048x128xf32>
    %dot_general3A = arith.constant dense<0.000000e+00> : vector<512x128xf32>
    %dot_general3A_9 = tpu.matmul %convert_element_type3A_5, %get3A_8, %dot_general3A {dimension_numbers = #tpu.dot_dimension_numbers<[0], [0], [1], [1], [0, 1, 1, 1], [], []>, transpose_lhs_hint = false} : vector<2048x512xf32>, vector<2048x128xf32>, vector<512x128xf32> -> vector<512x128xf32>
    %eq3A_10 = arith.constant 0 : i32
    %eq3A_11 = arith.cmpi eq, %arg0, %eq3A_10 : i32
    %convert_element_type3A_12 = arith.extui %eq3A_11 : i1 to i32
    %cond3A = arith.constant 0 : i32
    %cond3A_13 = arith.cmpi ne, %convert_element_type3A_12, %cond3A : i32
    scf.if %cond3A_13 {
      %swap3A = arith.constant 0 : index
      %swap3A_18 = arith.constant 0 : index
      %swap3A_19 = vector.load %arg3[%swap3A, %swap3A_18] : memref<512x128xf32, #tpu.memory_space<vmem>>, vector<512x128xf32>
      tpu.vector_store %arg3[%swap3A, %swap3A_18], %dot_general3A_9 {strides = array<i32>} : memref<512x128xf32, #tpu.memory_space<vmem>>, vector<512x128xf32>,
    } else {
    }
    %ne3A = arith.constant 0 : i32
    %ne3A_14 = arith.cmpi ne, %arg0, %ne3A : i32
    %convert_element_type3A_15 = arith.extui %ne3A_14 : i1 to i32
    %cond3A_16 = arith.constant 0 : i32
    %cond3A_17 = arith.cmpi ne, %convert_element_type3A_15, %cond3A_16 : i32
    scf.if %cond3A_17 {
      %get3A_18 = arith.constant 0 : index
      %get3A_19 = arith.constant 0 : index
      %get3A_20 = vector.load %arg3[%get3A_18, %get3A_19] : memref<512x128xf32, #tpu.memory_space<vmem>>, vector<512x128xf32>
      %add3A = arith.addf %get3A_20, %dot_general3A_9 : vector<512x128xf32>
      %swap3A = arith.constant 0 : index
      %swap3A_21 = arith.constant 0 : index
      %swap3A_22 = vector.load %arg3[%swap3A, %swap3A_21] : memref<512x128xf32, #tpu.memory_space<vmem>>, vector<512x128xf32>
      tpu.vector_store %arg3[%swap3A, %swap3A_21], %add3A {strides = array<i32>} : memref<512x128xf32, #tpu.memory_space<vmem>>, vector<512x128xf32>,
    } else {
    }
    return
  }
  func.func @transform_0(%arg0: i32) -> (i32, i32, i32) {
    %c0_i32 = arith.constant 0 : i32
    %c0_i32_0 = arith.constant 0 : i32
    %c0_i32_1 = arith.constant 0 : i32
    return %arg0, %c0_i32, %c0_i32_0 : i32, i32, i32
  }
  func.func @transform_1(%arg0: i32) -> (i32, i32) {
    %c0_i32 = arith.constant 0 : i32
    %c0_i32_0 = arith.constant 0 : i32
    return %arg0, %c0_i32 : i32, i32
  }
  func.func @transform_2(%arg0: i32) -> (i32, i32) {
    %c0_i32 = arith.constant 0 : i32
    %c0_i32_0 = arith.constant 0 : i32
    %c0_i32_1 = arith.constant 0 : i32
    return %c0_i32, %c0_i32_0 : i32, i32
  }
}

</mosaic_0001>

<sc_bundles>
// kernel: kernel.5.cloned.1.call-start
scs
__scs_entry_jumppad:
0x0: {  	(pc) =	sbr.rel $0x88, $3  }
0x1: {  	(tag) =	ssettag $0x0;
	lr =	simm.s32 $0x1  }
0x2: {  	[smem:$0x3F9F] =	sst lr;
	_ =	strace $0xD0000000  }
0x3: {  	_ = 	snop  }
0x4: {  	_ = 	snop  }
0x5: {  	_ = 	snop  }
0x6: {  	_ = 	snop  }
0x7: {  	_ = 	snop  }
__scs_overlays_trampoline_lowered:
0x8: {  	[smem:$0x3FAE] =	sst s0  }
0x9: {  	[smem:$0x3FAF] =	sst s1  }
0xa: {  	[smem:$0x3FB0] =	sst s2  }
0xb: {  	[smem:$0x3FB1] =	sst s3  }
0xc: {  	[smem:$0x3FB2] =	sst s4  }
0xd: {  	[smem:$0x3FB3] =	sst s5  }
0xe: {  	[smem:$0x3FB4] =	sst s6  }
0xf: {  	[smem:$0x3FB5] =	sst s7  }
0x10: {  	[smem:$0x3FB6] =	sst s8  }
0x11: {  	[smem:$0x3FB7] =	sst s9;
	s0 =	simm.s32 @!p0 $0x0  }
0x12: {  	s1 =	sld [smem:$0x3F9D];
	s0 =	simm.s32 @p0 $0x1  }
0x13: {  	[smem:$0x3FB8] =	sst s0;
	s0 =	simm.s32 @!p1 $0x0  }
0x14: {  	s2 =	sld [smem:$0x3F9C];
	s0 =	simm.s32 @p1 $0x1  }
0x15: {  	[smem:$0x3FB9] =	sst s0;
	s0 =	simm.s32 @!p2 $0x0  }
0x16: {  	s3 =	sld [smem:$0x3FDB];
	s0 =	simm.s32 @p2 $0x1  }
0x17: {  	s4 =	simm.s32 $0x1BF5;
	[smem:$0x3FBB] =	sst s0  }
0x18: {  	s0 =	sld [smem:$0x3F9E];
	_ =	swait.ge [sflag:s4], $0x0  }
0x19: {  	s7 =	sld [smem:$0x3F9F]  }
0x1a: {  	s8 =	sadd.s32 $0xFFFFE003, lr  }
0x1b: {  	s9 =	sadd.s32 $0xFFFFFEF7, lr;
	s5 =	simm.s32 $0xFFFFFFFF;
	p2 =	slt.u32 s8, $0xFFFFF086  }
0x1c: {  	p1 =	slt.u32 s9, $0xF7A;
	s5 =	simm.s32 @!p2 $0x0  }
0x1d: {  	s5 =	simm.s32 @p1 $0x1;
	p0 =	seq.s32 s7, s2  }
0x1e: {  	s7 =	smul.u32 @!p0 $0xF7A, s2;
	p2 =	seq.s32 @!p0 s5, $0x0  }
0x1f: {  	s9 =	smul.u32 $0xF7A, s1;
	s8 =	simm.s32 @!p0 $0x1BF5;
	p2 =	por !p2, p0  }
0x20: {  	[sflag:s8] =	ssyncset.s32 @!p0 $0xFFFFF086;
	s6 =	sadd.s32 @!p0 s3, s7;
	s7 =	simm.s32 @!p0 $0x108  }
0x21: {  	s3 =	sadd.s32 s3, s9;
	s6 =	sadd.s32 @!p0 $0x88, s6;
	s7 =	simm.s32 @p2 $0x1082  }
0x22: {  	[simem:s7], [sflag:s8] =	dma.local @!p0 [hbm:s6], $0xF7A  }
0x23: {  	s9 =	sor.u32 $0xD0000000, s2;
	s6 =	simm.s32 $0x108;
	_ =	swait.ge @!p0 [sflag:s8], $0x0  }
0x24: {  	s3 =	sadd.s32 $0x88, s3;
	s6 =	simm.s32 @!p1 $0x1082;
	[sflag:s4] =	ssyncset.s32 $0xFFFFF086  }
0x25: {  	[simem:s6], [sflag:s4] =	dma.local [hbm:s3], $0xF7A  }
0x26: {  	[smem:$0x3F9F] =	sst s1;
	(tag) =	ssettag s2;
	_ =	strace s9  }
0x27: {  	s1 =	sld [smem:$0x3FAF]  }
0x28: {  	s2 =	sld [smem:$0x3FB0]  }
0x29: {  	s4 =	sld [smem:$0x3FB2]  }
0x2a: {  	p0 =	seq.s32 s5, $0x0;
	s5 =	sld [smem:$0x3FB3]  }
0x2b: {  	s6 =	sld [smem:$0x3FB4]  }
0x2c: {  	s7 =	sld [smem:$0x3FB5]  }
0x2d: {  	s3 =	simm.s32 $0x108;
	s8 =	sld [smem:$0x3FB6]  }
0x2e: {  	s3 =	simm.s32 @!p0 $0x1082;
	s9 =	sld [smem:$0x3FB7]  }
0x2f: {  	lr =	sadd.s32 s0, s3;
	s0 =	sld [smem:$0x3FAE]  }
0x30: {  	s3 =	sld [smem:$0x3FB1]  }
0x31: {  	[smem:$0x3FBA] =	sst s10  }
0x32: {  	s10 =	sld [smem:$0x3FB8];
	_ =	sdelay $0x3  }
0x33: {  	p0 =	seq.s32 s10, $0x1;
	s10 =	sld [smem:$0x3FBA];
	_ =	sdelay $0x3  }
0x34: {  	[smem:$0x3FBA] =	sst s10  }
0x35: {  	s10 =	sld [smem:$0x3FB9];
	_ =	sdelay $0x3  }
0x36: {  	p1 =	seq.s32 s10, $0x1;
	s10 =	sld [smem:$0x3FBA];
	_ =	sdelay $0x3  }
0x37: {  	[smem:$0x3FBA] =	sst s10  }
0x38: {  	s10 =	sld [smem:$0x3FBB]  }
0x39: {  	_ = 	snop;
	(pc) =	sbr.ind lr, $3  }
0x3a: {  	_ = 	snop  }
0x3b: {  	_ = 	snop  }
0x3c: {  	p2 =	seq.s32 s10, $0x1;
	s10 =	sld [smem:$0x3FBA]  }
0x3d: {  	_ =	shalt  }
0x3e: {  	_ =	shalt  }
0x3f: {  	_ =	shalt  }
0x40: {  	_ =	shalt  }
0x41: {  	_ =	shalt  }
0x42: {  	_ =	shalt  }
0x43: {  	_ =	shalt  }
0x44: {  	_ =	shalt  }
0x45: {  	_ =	shalt  }
0x46: {  	_ =	shalt  }
0x47: {  	_ =	shalt  }
0x48: {  	_ =	shalt  }
0x49: {  	_ =	shalt  }
0x4a: {  	_ =	shalt  }
0x4b: {  	_ =	shalt  }
0x4c: {  	_ =	shalt  }
0x4d: {  	_ =	shalt  }
0x4e: {  	_ =	shalt  }
0x4f: {  	_ =	shalt  }
0x50: {  	_ =	shalt  }
0x51: {  	_ =	shalt  }
0x52: {  	_ =	shalt  }
0x53: {  	_ =	shalt  }
0x54: {  	_ =	shalt  }
0x55: {  	_ =	shalt  }
0x56: {  	_ =	shalt  }
0x57: {  	_ =	shalt  }
0x58: {  	_ =	shalt  }
0x59: {  	_ =	shalt  }
0x5a: {  	_ =	shalt  }
0x5b: {  	_ =	shalt  }
0x5c: {  	_ =	shalt  }
0x5d: {  	_ =	shalt  }
0x5e: {  	_ =	shalt  }
0x5f: {  	_ =	shalt  }
0x60: {  	_ =	shalt  }
0x61: {  	_ =	shalt  }
0x62: {  	_ =	shalt  }
0x63: {  	_ =	shalt  }
0x64: {  	_ =	shalt  }
0x65: {  	_ =	shalt  }
0x66: {  	_ =	shalt  }
0x67: {  	_ =	shalt  }
0x68: {  	_ =	shalt  }
0x69: {  	_ =	shalt  }
0x6a: {  	_ =	shalt  }
0x6b: {  	_ =	shalt  }
0x6c: {  	_ =	shalt  }
0x6d: {  	_ =	shalt  }
0x6e: {  	_ =	shalt  }
0x6f: {  	_ =	shalt  }
0x70: {  	_ =	shalt  }
0x71: {  	_ =	shalt  }
0x72: {  	_ =	shalt  }
0x73: {  	_ =	shalt  }
0x74: {  	_ =	shalt  }
0x75: {  	_ =	shalt  }
0x76: {  	_ =	shalt  }
0x77: {  	_ =	shalt  }
0x78: {  	_ =	shalt  }
0x79: {  	_ =	shalt  }
0x7a: {  	_ =	shalt  }
0x7b: {  	_ =	shalt  }
0x7c: {  	_ =	shalt  }
0x7d: {  	_ =	shalt  }
0x7e: {  	_ =	shalt  }
0x7f: {  	_ =	shalt  }
0x80: {  	_ =	shalt  }
0x81: {  	_ =	shalt  }
0x82: {  	_ =	shalt  }
0x83: {  	_ =	shalt  }
0x84: {  	_ =	shalt  }
0x85: {  	_ =	shalt  }
0x86: {  	_ =	shalt  }
0x87: {  	_ =	shalt  }
.Lfunc_end0:
.L_simem_size_0:
called_computation_lowered:
.L_overlay_start_0:
0x88: {  	s2 =	sld [smem:$0x3FD9]  }
0x89: {  	s3 =	sld [smem:$0x3FFE];
	_ =	sdelay $0x1  }
0x8a: {  	s1 =	srdreg.scid  }
0x8b: {  	s0 =	sand.u32 $0x1, s1  }
0x8c: {  	s18 =	sshll.u32 s0, $0xA;
	s2 =	sadd.s32 s3, s2  }
0x8d: {  	s2 =	sadd.s32 s2, s18  }
0x8e: {  	[smem:$0x3FC6] =	sst s2  }
0x8f: {  	_ = 	snop  }
0x90: {  	s2 =	sld [smem:$0x3FC9]  }
0x91: {  	s19 =	sld [smem:$0x3FC8]  }
0x92: {  	s4 =	sld [smem:$0x3FD0];
	(tm) =	ssettm $0x1  }
0x93: {  	s5 =	sld [smem:$0x3FFB];
	_ =	sdelay $0x3  }
0x94: {  	_ =	strace s5  }
0x95: {  	s5 =	sld [smem:$0x3FFC];
	_ =	sdelay $0x3  }
0x96: {  	_ =	strace s5  }
0x97: {  	s5 =	sld [smem:$0x3FFD];
	_ =	sdelay $0x3  }
0x98: {  	_ =	strace s5  }
0x99: {  	_ =	strace $0x8FFFFFFF  }
0x9a: {  	s20 =	sld [smem:$0x3FDB];
	_ =	sdelay $0x1  }
0x9b: {  	s6 =	simm.s32 $_scs_section_size  }
0x9c: {  	s7 =	simm.s32 $_size__tile_overlayer_lowered;
	s8 =	simm.s32 $_tile_overlayer_lowered  }
0x9d: {  	s23 =	simm.s32 $0x1BFF;
	s22 =	sshll.u32 s8, $0x1;
	s5 =	sadd.s32 s6, s20  }
0x9e: {  	s9 =	simm.s32 $0x0;
	s21 =	sshll.u32 s7, $0x1;
	s7 =	sadd.s32 s22, s5  }
0x9f: {  	[timem:s9], [sflag:s23] =	dma.local [hbm:s7], s21  }
0xa0: {  	_ =	swait.ge [sflag:s23], s21  }
0xa1: {  	s6 =	ssub.s32 $0x0, s21;
	[sflag:s23] =	ssyncset.done $0x0  }
0xa2: {  	[sflag:s23] =	ssyncadd.s32 s6;
	_ =	sdelay $0x1  }
0xa3: {  	s24 =	simm.s32 $0x1B8B  }
0xa4: {  	_ =	swait.ge [sflag:s24], $0x1  }
0xa5: {  	[sflag:s24] =	ssyncset.done $0x0  }
0xa6: {  	s25 =	simm.s32 $0x1B8E;
	[sflag:s24] =	ssyncadd.s32 $0xFFFFFFFF  }
0xa7: {  	s26 =	simm.s32 $execute0_lowered;
	[smem:$0x3FD2] =	sst s25  }
0xa8: {  	s6 =	sshll.u32 s26, $0x1;
	_ =	strace $0x80000046;
	[dreg:$0x1] =	wrdreg $0xFFFFFFFF  }
0xa9: {  	s28 =	simm.s32 $_size_execute0_lowered;
	s5 =	sadd.s32 s5, s6;
	[dreg:$0x0] =	wrdreg $0x0  }
0xaa: {  	s6 =	sshll.u32 s28, $0x1;
	[dreg:$0x2] =	wrdreg s5  }
0xab: {  	[dreg:$0x3] =	wrdreg s6  }
0xac: {  	[dreg:$0x4] =	wrdreg $0xC0  }
0xad: {  	_ =	task [dreg:s9], $0x5FFFF  }
0xae: {  	[dreg:$0x1] =	wrdreg $0xFFFFFFFF  }
0xaf: {  	[dreg:$0x0] =	wrdreg $0x60  }
0xb0: {  	[dreg:$0x2] =	wrdreg s2  }
0xb1: {  	[dreg:$0x3] =	wrdreg s19  }
0xb2: {  	[dreg:$0x4] =	wrdreg s4  }
0xb3: {  	[dreg:$0x5] =	wrdreg $0x0  }
0xb4: {  	[dreg:$0x6] =	wrdreg $0x9  }
0xb5: {  	_ =	task.clear_ibuf [dreg:s9], $0x7FFFF;
	_ =	strace $0x90000046  }
0xb6: {  	s29 =	simm.s32 $0x9;
	_ =	strace $0x80000048  }
0xb7: {  	_ =	swait.ge [sflag:s29], $0x1  }
0xb8: {  	[sflag:s29] =	ssyncadd.s32 $0xFFFFFFFF  }
0xb9: {  	_ =	strace $0x90000048  }
0xba: {  	_ =	sfence  }
0xbb: {  	s30 =	sld [smem:$0x0];
	_ =	sdelay $0x2  }
0xbc: {  	s31 =	sshll.u32 s1, $0xD;
	s1 =	sshrl.u32 s1, $0x2  }
0xbd: {  	s3 =	sand.u32 $0x4000, s31;
	s1 =	sadd.s32 s1, s30  }
0xbe: {  	s0 =	sor.u32 s3, s0;
	s1 =	sshll.u32 s1, $0x11  }
0xbf: {  	s0 =	sor.u32 s1, s0  }
0xc0: {  	s0 =	sadd.s32 $0x8F2B, s0  }
0xc1: {  	[sflag:s0] =	ssyncadd.remote.s32 $0x1  }
0xc2: {  	_ =	sfence.sel $0xFFFF  }
0xc3: {  	[dreg:$0x0] =	wrdreg $0xFFFFFFFF;
	(pc) =	sbr.abs _section_cstart, $3  }
0xc4: {  	[dreg:$0x1] =	wrdreg $0xFFFFFFFF  }
0xc5: {  	_ =	task.clear_ibuf [dreg:s9], $0x2FFFF;
	_ =	strace $0x9FFFFFFF  }
0xc6: {  	(tm) =	ssettm $0x7FFFFFFF  }
0xc7: {  	_ =	shalt  }
tec
execute0_lowered:
.L_overlay_start_1:
0x0: {  	(tag) =	ssettag $0x1  }
0x1: {  	s0 =	rddreg [dreg:$0x0]  }
0x2: {  	s1 =	rddreg [dreg:$0x1]  }
0x3: {  	s5 =	rddreg [dreg:$0x2]  }
0x4: {  	s2 =	rddreg [dreg:$0x3]  }
0x5: {  	s4 =	srdreg.scid;
	s14 =	stileid.u32  }
0x6: {  	s3 =	simm.s32 $0x0;
	s28 =	simm.s32 $0x8980;
	s29 =	simm.s32 $0x6800  }
0x7: {  	s30 =	simm.s32 $0x6;
	s31 =	simm.s32 $0x2;
	s4 =	sand.u32 $0x1, s4  }
0x8: {  	s6 =	smul.u32 $0xFF0, s14;
	[smem:$0x7FF] =	sst s3;
	s11 =	sshll.u32 s14, $0xB  }
0x9: {  	s13 =	smul.u32 $0x7F800, s14;
	s18 =	sshll.u32 s14, $0xC;
	s7 =	ssub.s32 $0x2, s4  }
0xa: {  	_ =	strace $0x80000047;
	s20 =	sshll.u32 s4, $0x6;
	s4 =	sadd.s32 s11, s2  }
0xb: {  	s8 =	sshrl.u32 s7, $0x1;
	s9 =	sadd.s32 $0x9720, s6;
	s10 =	sadd.s32 $0x87A0, s6  }
0xc: {  	s25 =	sadd.s32 $0x8820, s6;
	s6 =	sadd.s32 $0x88A0, s6;
	s17 =	sor.u32 s20, s13  }
0xd: {  	s7 =	ssub.s32 s7, s8;
	s21 =	sshll.u32 s9, $0x7;
	s9 =	sshrl.u32 s9, $0x3  }
0xe: {  	s24 =	sshll.u32 s10, $0x7;
	s10 =	sshrl.u32 s10, $0x3;
	s26 =	sshll.u32 s25, $0x7  }
0xf: {  	s16 =	sshrl.u32 s6, $0x3;
	s6 =	sshll.u32 s6, $0x7;
	s8 =	sor.u32 s20, s18  }
0x10: {  	s18 =	simm.s32 $0x8800;
	s12 =	sor.u32 s20, s21;
	s9 =	sadd.s32 s1, s9  }
0x11: {  	s10 =	sadd.s32 s1, s10;
	s6 =	sor.u32 s20, s6;
	[dreg:$0x9] =	wrdreg s9  }
0x12: {  	s22 =	sshrl.u32 s12, $0x3;
	s9 =	sor.u32 s20, s24;
	[dreg:$0xb] =	wrdreg s10  }
0x13: {  	s12 =	sshrl.u32 s25, $0x3;
	s10 =	sor.u32 s20, s26;
	s6 =	sshrl.u32 s6, $0x3  }
0x14: {  	s20 =	sshrl.u32 s8, $0x3;
	s24 =	sadd.s32 $0x455000, s17;
	s23 =	sadd.s32 s0, s22  }
0x15: {  	s9 =	sshrl.u32 s9, $0x3;
	s10 =	sshrl.u32 s10, $0x3;
	s6 =	sadd.s32 s0, s6  }
0x16: {  	s13 =	sadd.s32 s5, s20;
	s22 =	sadd.s32 $0x451000, s17;
	s8 =	sshrl.u32 s24, $0x3  }
0x17: {  	s20 =	simm.s32 $0x80;
	s24 =	simm.s32 $0x4800;
	[dreg:$0xa] =	wrdreg s23  }
0x18: {  	s9 =	sadd.s32 s0, s9;
	s15 =	sadd.s32 s0, s10;
	[dreg:$0x10] =	wrdreg s6  }
0x19: {  	s23 =	smul.u32 $0x1FE, s14;
	s5 =	sshrl.u32 s22, $0x3;
	s25 =	sadd.s32 s8, s0  }
0x1a: {  	s14 =	smax.u32 s7, $0x1;
	s22 =	simm.s32 $0x2800;
	[dreg:$0xc] =	wrdreg s9  }
0x1b: {  	s6 =	simm.s32 $0x4;
	s7 =	simm.s32 $0x0;
	[dreg:$0xe] =	wrdreg s15  }
0x1c: {  	s9 =	sadd.s32 s1, s12;
	s12 =	sadd.s32 $0x44D000, s17;
	[dreg:$0x7] =	wrdreg s25  }
0x1d: {  	s5 =	sadd.s32 s5, s0;
	s25 =	simm.s32 $0x5;
	[dreg:$0xd] =	wrdreg s9  }
0x1e: {  	s9 =	sadd.s32 s1, s16;
	s19 =	sshrl.u32 s12, $0x3;
	[dreg:$0x6] =	wrdreg s5  }
0x1f: {  	s1 =	sadd.s32 s23, s1;
	s16 =	simm.s32 $0x800;
	s23 =	simm.s32 $0x8900  }
0x20: {  	s5 =	simm.s32 $0x8;
	[dreg:$0xf] =	wrdreg s9;
	s21 =	sadd.s32 s19, s0  }
0x21: {  	s9 =	sadd.s32 $0x449000, s17;
	s15 =	sadd.s32 $0x1124, s1;
	s17 =	simm.s32 $0x9  }
0x22: {  	s19 =	simm.s32 $0x40;
	s1 =	simm.s32 $0x3;
	s26 =	sshrl.u32 s9, $0x3  }
0x23: {  	[dreg:$0x5] =	wrdreg s21;
	s21 =	simm.s32 $0x8880;
	s0 =	sadd.s32 s26, s0  }
0x24: {  	v0 =	vimm.f32 $0.0e+00;
	v1 =	vimm.s32 $0x0;
	s26 =	simm.s32 $0x1;
	[dreg:$0x8] =	wrdreg s0;
	s0 =	simm.s32 $0x7  }
.LBB2_1:
0x25: {  	s9 =	simm.s32 $0x100;
	s8 =	simm.s32 $0x0  }
.LBB2_2:
0x26: {  	p0 =	sne.s32 s9, $0x7F00;
	[tilespmem:s8+$0x830] =	vst v0;
	s10 =	smov.u32 s9;
	s9 =	sadd.s32 $0x100, s9  }
.Ltmp0:
0x27: {  	[tilespmem:s8+$0x820] =	vst v0;
	(pc) =	sbr.rel @p0 .LBB2_2-.Ltmp0, $3  }
0x28: {  	[tilespmem:s8+$0x800] =	vst v0  }
0x29: {  	[tilespmem:s8+$0x810] =	vst v0;
	_ =	sdelay $0x1  }
0x2a: {  	s8 =	sshra.s32 s10, $0x2  }
0x2b: {  	[tilespmem:s8+$0x830] =	vst v0  }
0x2c: {  	[tilespmem:s8+$0x820] =	vst v0  }
0x2d: {  	[tilespmem:s8+$0x800] =	vst v0  }
0x2e: {  	[tilespmem:s8+$0x810] =	vst v0  }
0x2f: {  	[tilespmem:$0x8800] =	vst v1  }
0x30: {  	[tilespmem:$0x8810] =	vst v1  }
0x31: {  	[tilespmem:$0x8820] =	vst v1  }
0x32: {  	[tilespmem:$0x8830] =	vst v1  }
0x33: {  	[tilespmem:$0x8840] =	vst v1  }
0x34: {  	[tilespmem:$0x8850] =	vst v1  }
0x35: {  	[tilespmem:$0x8860] =	vst v1  }
0x36: {  	[tilespmem:$0x8870] =	vst v1  }
0x37: {  	[spmem:s4] =	stream.linear.scatter [tilespmem:s16], [sflag:$0x9], $0x800, $0x38;
	[tilespmem:$0x8A00] =	vst v63  }
0x38: {  	_ =	swait.ge [sflag:s17], $0x800  }
0x39: {  	[sflag:s17] =	ssyncset.done $0x0  }
0x3a: {  	[sflag:s17] =	ssyncadd.s32 $0xFFFFF800  }
0x3b: {  	[bflag:$0x0] =	sbarrier.arrive $0xFFFF  }
0x3c: {  	s8 =	simm.s32 $0x0;
	s9 =	rddreg [dreg:$0x9]  }
0x3d: {  	[tilespmem:s18], [sflag:$0x9] =	stream.linear.gather [hbm4b:s9+s8], $0x70, $0x38;
	[tilespmem:$0x8A00] =	vst v63  }
0x3e: {  	_ =	swait.ge [sflag:s17], $0x70  }
0x3f: {  	[sflag:s17] =	ssyncset.done $0x0  }
0x40: {  	s12 =	rddreg [dreg:$0xa];
	[sflag:s17] =	ssyncadd.s32 $0xFFFFFF90  }
0x41: {  	[tilespmem:s16], [sflag:$0x9] =	stream.strided.gather [hbm4b:s12+s19], $0x1C00, s20, s19, $0x38;
	[tilespmem:$0x8A00] =	vst v63  }
0x42: {  	_ =	swait.ge [sflag:s17], $0x1C00  }
0x43: {  	[sflag:s17] =	ssyncset.done $0x0  }
0x44: {  	[sflag:s17] =	ssyncadd.s32 $0xFFFFE400  }
0x45: {  	[spmem:s2] =	stream.indirect.scatter.add.f32 [tilespmem:s16], [sflag:$0x9], $0x40, s18, s20, $0xb8;
	[tilespmem:$0x8A00] =	vst v63  }
0x46: {  	_ =	swait.ge [sflag:s17], $0x2000  }
0x47: {  	[sflag:s17] =	ssyncset.done $0x0  }
0x48: {  	s10 =	rddreg [dreg:$0xb];
	[sflag:s17] =	ssyncadd.s32 $0xFFFFE000  }
0x49: {  	[tilespmem:s18], [sflag:$0x5] =	stream.linear.gather [hbm4b:s10+s8], $0x80, $0x38;
	[tilespmem:$0x8A00] =	vst v63  }
0x4a: {  	s11 =	rddreg [dreg:$0xc]  }
0x4b: {  	[tilespmem:s16], [sflag:$0x1] =	stream.strided.gather [hbm4b:s11+s19], $0x2000, s20, s19, $0x38;
	[tilespmem:$0x8A00] =	vst v63  }
0x4c: {  	s12 =	rddreg [dreg:$0xd]  }
0x4d: {  	[tilespmem:s21], [sflag:$0x6] =	stream.linear.gather [hbm4b:s12+s8], $0x80, $0x38;
	[tilespmem:$0x8A00] =	vst v63  }
0x4e: {  	s10 =	rddreg [dreg:$0xe]  }
0x4f: {  	[tilespmem:s22], [sflag:$0x2] =	stream.strided.gather [hbm4b:s10+s19], $0x2000, s20, s19, $0x38;
	[tilespmem:$0x8A00] =	vst v63  }
0x50: {  	s11 =	rddreg [dreg:$0xf]  }
0x51: {  	[tilespmem:s23], [sflag:$0x7] =	stream.linear.gather [hbm4b:s11+s8], $0x80, $0x38;
	[tilespmem:$0x8A00] =	vst v63  }
0x52: {  	s12 =	rddreg [dreg:$0x10]  }
0x53: {  	[tilespmem:s24], [sflag:$0x3] =	stream.strided.gather [hbm4b:s12+s19], $0x2000, s20, s19, $0x38;
	[tilespmem:$0x8A00] =	vst v63  }
0x54: {  	_ =	swait.ge [sflag:s25], $0x80  }
0x55: {  	[sflag:s25] =	ssyncset.done $0x0  }
0x56: {  	[sflag:s25] =	ssyncadd.s32 $0xFFFFFF80  }
0x57: {  	_ =	swait.ge [sflag:s26], $0x2000  }
0x58: {  	[sflag:s26] =	ssyncset.done $0x0  }
0x59: {  	[sflag:s26] =	ssyncadd.s32 $0xFFFFE000  }
0x5a: {  	[spmem:s2] =	stream.indirect.scatter.add.f32 [tilespmem:s16], [sflag:$0x9], $0x40, s18, s20, $0xb8;
	[tilespmem:$0x8A00] =	vst v63  }
0x5b: {  	_ =	swait.ge [sflag:s17], $0x2000  }
0x5c: {  	[sflag:s17] =	ssyncset.done $0x0  }
0x5d: {  	s9 =	rddreg [dreg:$0x8];
	[sflag:s17] =	ssyncadd.s32 $0xFFFFE000  }
0x5e: {  	[tilespmem:s28], [sflag:$0x8] =	stream.linear.gather [hbm4b:s15+s3], $0x80, $0x38;
	[tilespmem:$0x8A00] =	vst v63  }
0x5f: {  	s8 =	sadd.s32 $0x0, s9  }
0x60: {  	[tilespmem:s29], [sflag:$0x4] =	stream.strided.gather [hbm4b:s8+s19], $0x2000, s20, s19, $0x38;
	[tilespmem:$0x8A00] =	vst v63  }
0x61: {  	_ =	swait.ge [sflag:s30], $0x80  }
0x62: {  	[sflag:s30] =	ssyncset.done $0x0  }
0x63: {  	[sflag:s30] =	ssyncadd.s32 $0xFFFFFF80  }
0x64: {  	_ =	swait.ge [sflag:s31], $0x2000  }
0x65: {  	[sflag:s31] =	ssyncset.done $0x0  }
0x66: {  	[sflag:s31] =	ssyncadd.s32 $0xFFFFE000  }
0x67: {  	[spmem:s2] =	stream.indirect.scatter.add.f32 [tilespmem:s22], [sflag:$0x9], $0x40, s21, s20, $0xb8;
	[tilespmem:$0x8A00] =	vst v63  }
0x68: {  	_ =	swait.ge [sflag:s17], $0x2000  }
0x69: {  	[sflag:s17] =	ssyncset.done $0x0  }
0x6a: {  	s11 =	sadd.s32 $0x10, s15;
	s10 =	rddreg [dreg:$0x5];
	[sflag:s17] =	ssyncadd.s32 $0xFFFFE000  }
0x6b: {  	[tilespmem:s18], [sflag:$0x5] =	stream.linear.gather [hbm4b:s11+s3], $0x80, $0x38;
	[tilespmem:$0x8A00] =	vst v63  }
0x6c: {  	s8 =	sadd.s32 $0x0, s10  }
0x6d: {  	[tilespmem:s16], [sflag:$0x1] =	stream.strided.gather [hbm4b:s8+s19], $0x2000, s20, s19, $0x38;
	[tilespmem:$0x8A00] =	vst v63  }
0x6e: {  	_ =	swait.ge [sflag:s0], $0x80  }
0x6f: {  	[sflag:s0] =	ssyncset.done $0x0  }
0x70: {  	[sflag:s0] =	ssyncadd.s32 $0xFFFFFF80  }
0x71: {  	_ =	swait.ge [sflag:s1], $0x2000  }
0x72: {  	[sflag:s1] =	ssyncset.done $0x0  }
0x73: {  	[sflag:s1] =	ssyncadd.s32 $0xFFFFE000  }
0x74: {  	[spmem:s2] =	stream.indirect.scatter.add.f32 [tilespmem:s24], [sflag:$0x9], $0x40, s23, s20, $0xb8;
	[tilespmem:$0x8A00] =	vst v63  }
0x75: {  	_ =	swait.ge [sflag:s17], $0x2000  }
0x76: {  	[sflag:s17] =	ssyncset.done $0x0  }
0x77: {  	s10 =	sadd.s32 $0x20, s15;
	s12 =	rddreg [dreg:$0x6];
	[sflag:s17] =	ssyncadd.s32 $0xFFFFE000  }
0x78: {  	[tilespmem:s21], [sflag:$0x6] =	stream.linear.gather [hbm4b:s10+s3], $0x80, $0x38;
	[tilespmem:$0x8A00] =	vst v63  }
0x79: {  	s8 =	sadd.s32 $0x0, s12  }
0x7a: {  	[tilespmem:s22], [sflag:$0x2] =	stream.strided.gather [hbm4b:s8+s19], $0x2000, s20, s19, $0x38;
	[tilespmem:$0x8A00] =	vst v63  }
0x7b: {  	_ =	swait.ge [sflag:s5], $0x80  }
0x7c: {  	[sflag:s5] =	ssyncset.done $0x0  }
0x7d: {  	[sflag:s5] =	ssyncadd.s32 $0xFFFFFF80  }
0x7e: {  	_ =	swait.ge [sflag:s6], $0x2000  }
0x7f: {  	[sflag:s6] =	ssyncset.done $0x0  }
0x80: {  	[sflag:s6] =	ssyncadd.s32 $0xFFFFE000  }
0x81: {  	[spmem:s2] =	stream.indirect.scatter.add.f32 [tilespmem:s29], [sflag:$0x9], $0x40, s28, s20, $0xb8;
	[tilespmem:$0x8A00] =	vst v63  }
0x82: {  	s9 =	sadd.s32 $0x40, s15;
	_ =	swait.ge [sflag:s17], $0x2000  }
0x83: {  	s12 =	sadd.s32 $0x30, s15;
	[sflag:s17] =	ssyncset.done $0x0;
	s11 =	rddreg [dreg:$0x7]  }
0x84: {  	s8 =	simm.s32 $0x2000;
	[sflag:s17] =	ssyncadd.s32 $0xFFFFE000;
	s10 =	sadd.s32 $0x0, s11  }
0x85: {  	[tilespmem:s23], [sflag:$0x7] =	stream.linear.gather [hbm4b:s12+s3], $0x80, $0x38;
	[tilespmem:$0x8A00] =	vst v63  }
.LBB2_4:
0x86: {  	[tilespmem:s24], [sflag:$0x3] =	stream.strided.gather [hbm4b:s10+s19], $0x2000, s20, s19, $0x38;
	[tilespmem:$0x8A00] =	vst v63  }
0x87: {  	_ =	swait.ge [sflag:s25], $0x80  }
0x88: {  	[sflag:s25] =	ssyncset.done $0x0  }
0x89: {  	[sflag:s25] =	ssyncadd.s32 $0xFFFFFF80  }
0x8a: {  	_ =	swait.ge [sflag:s26], $0x2000  }
0x8b: {  	[sflag:s26] =	ssyncset.done $0x0  }
0x8c: {  	[sflag:s26] =	ssyncadd.s32 $0xFFFFE000  }
0x8d: {  	[spmem:s2] =	stream.indirect.scatter.add.f32 [tilespmem:s16], [sflag:$0x9], $0x40, s18, s20, $0xb8;
	[tilespmem:$0x8A00] =	vst v63  }
0x8e: {  	_ =	swait.ge [sflag:s17], $0x2000  }
0x8f: {  	[sflag:s17] =	ssyncset.done $0x0  }
0x90: {  	s10 =	smov.u32 s8;
	s11 =	rddreg [dreg:$0x8];
	[sflag:s17] =	ssyncadd.s32 $0xFFFFE000  }
0x91: {  	[tilespmem:s28], [sflag:$0x8] =	stream.linear.gather [hbm4b:s9+s3], $0x80, $0x38;
	[tilespmem:$0x8A00] =	vst v63  }
0x92: {  	s11 =	sadd.s32 s10, s11  }
0x93: {  	[tilespmem:s29], [sflag:$0x4] =	stream.strided.gather [hbm4b:s11+s19], $0x2000, s20, s19, $0x38;
	[tilespmem:$0x8A00] =	vst v63  }
0x94: {  	_ =	swait.ge [sflag:s30], $0x80  }
0x95: {  	[sflag:s30] =	ssyncset.done $0x0  }
0x96: {  	[sflag:s30] =	ssyncadd.s32 $0xFFFFFF80  }
0x97: {  	_ =	swait.ge [sflag:s31], $0x2000  }
0x98: {  	[sflag:s31] =	ssyncset.done $0x0  }
0x99: {  	[sflag:s31] =	ssyncadd.s32 $0xFFFFE000  }
0x9a: {  	[spmem:s2] =	stream.indirect.scatter.add.f32 [tilespmem:s22], [sflag:$0x9], $0x40, s21, s20, $0xb8;
	[tilespmem:$0x8A00] =	vst v63  }
0x9b: {  	_ =	swait.ge [sflag:s17], $0x2000  }
0x9c: {  	[sflag:s17] =	ssyncset.done $0x0  }
0x9d: {  	s12 =	sadd.s32 $0x10, s9;
	s11 =	rddreg [dreg:$0x5];
	[sflag:s17] =	ssyncadd.s32 $0xFFFFE000  }
0x9e: {  	[tilespmem:s18], [sflag:$0x5] =	stream.linear.gather [hbm4b:s12+s3], $0x80, $0x38;
	[tilespmem:$0x8A00] =	vst v63  }
0x9f: {  	s11 =	sadd.s32 s10, s11  }
0xa0: {  	[tilespmem:s16], [sflag:$0x1] =	stream.strided.gather [hbm4b:s11+s19], $0x2000, s20, s19, $0x38;
	[tilespmem:$0x8A00] =	vst v63  }
0xa1: {  	_ =	swait.ge [sflag:s0], $0x80  }
0xa2: {  	[sflag:s0] =	ssyncset.done $0x0  }
0xa3: {  	[sflag:s0] =	ssyncadd.s32 $0xFFFFFF80  }
0xa4: {  	_ =	swait.ge [sflag:s1], $0x2000  }
0xa5: {  	[sflag:s1] =	ssyncset.done $0x0  }
0xa6: {  	[sflag:s1] =	ssyncadd.s32 $0xFFFFE000  }
0xa7: {  	[spmem:s2] =	stream.indirect.scatter.add.f32 [tilespmem:s24], [sflag:$0x9], $0x40, s23, s20, $0xb8;
	[tilespmem:$0x8A00] =	vst v63  }
0xa8: {  	_ =	swait.ge [sflag:s17], $0x2000  }
0xa9: {  	[sflag:s17] =	ssyncset.done $0x0  }
0xaa: {  	s12 =	sadd.s32 $0x20, s9;
	s11 =	rddreg [dreg:$0x6];
	[sflag:s17] =	ssyncadd.s32 $0xFFFFE000  }
0xab: {  	[tilespmem:s21], [sflag:$0x6] =	stream.linear.gather [hbm4b:s12+s3], $0x80, $0x38;
	[tilespmem:$0x8A00] =	vst v63  }
0xac: {  	s11 =	sadd.s32 s10, s11  }
0xad: {  	[tilespmem:s22], [sflag:$0x2] =	stream.strided.gather [hbm4b:s11+s19], $0x2000, s20, s19, $0x38;
	[tilespmem:$0x8A00] =	vst v63  }
0xae: {  	_ =	swait.ge [sflag:s5], $0x80  }
0xaf: {  	[sflag:s5] =	ssyncset.done $0x0  }
0xb0: {  	[sflag:s5] =	ssyncadd.s32 $0xFFFFFF80  }
0xb1: {  	_ =	swait.ge [sflag:s6], $0x2000  }
0xb2: {  	[sflag:s6] =	ssyncset.done $0x0  }
0xb3: {  	p0 =	sne.s32 s8, $0xC000;
	[sflag:s6] =	ssyncadd.s32 $0xFFFFE000  }
0xb4: {  	[spmem:s2] =	stream.indirect.scatter.add.f32 [tilespmem:s29], [sflag:$0x9], $0x40, s28, s20, $0xb8;
	[tilespmem:$0x8A00] =	vst v63  }
.Ltmp1:
0xb5: {  	_ = 	snop;
	(pc) =	sbr.rel @p0 .LBB2_4-.Ltmp1, $4  }
0xb6: {  	s8 =	sadd.s32 $0x2000, s8;
	_ =	swait.ge [sflag:s17], $0x2000  }
0xb7: {  	s12 =	sadd.s32 $0x30, s9;
	[sflag:s17] =	ssyncset.done $0x0;
	s11 =	rddreg [dreg:$0x7]  }
0xb8: {  	s9 =	sadd.s32 $0x40, s9;
	[sflag:s17] =	ssyncadd.s32 $0xFFFFE000;
	s10 =	sadd.s32 s10, s11  }
0xb9: {  	[tilespmem:s23], [sflag:$0x7] =	stream.linear.gather [hbm4b:s12+s3], $0x80, $0x38;
	[tilespmem:$0x8A00] =	vst v63  }
0xba: {  	[tilespmem:s24], [sflag:$0x3] =	stream.strided.gather [hbm4b:s10+s19], $0x2000, s20, s19, $0x38;
	[tilespmem:$0x8A00] =	vst v63  }
0xbb: {  	_ =	swait.ge [sflag:s25], $0x80  }
0xbc: {  	[sflag:s25] =	ssyncset.done $0x0  }
0xbd: {  	[sflag:s25] =	ssyncadd.s32 $0xFFFFFF80  }
0xbe: {  	_ =	swait.ge [sflag:s26], $0x2000  }
0xbf: {  	[sflag:s26] =	ssyncset.done $0x0  }
0xc0: {  	[sflag:s26] =	ssyncadd.s32 $0xFFFFE000  }
0xc1: {  	[spmem:s2] =	stream.indirect.scatter.add.f32 [tilespmem:s16], [sflag:$0x9], $0x40, s18, s20, $0xb8;
	[tilespmem:$0x8A00] =	vst v63  }
0xc2: {  	_ =	swait.ge [sflag:s17], $0x2000  }
0xc3: {  	[sflag:s17] =	ssyncset.done $0x0  }
0xc4: {  	[sflag:s17] =	ssyncadd.s32 $0xFFFFE000  }
0xc5: {  	_ =	swait.ge [sflag:s30], $0x80  }
0xc6: {  	[sflag:s30] =	ssyncset.done $0x0  }
0xc7: {  	[sflag:s30] =	ssyncadd.s32 $0xFFFFFF80  }
0xc8: {  	_ =	swait.ge [sflag:s31], $0x2000  }
0xc9: {  	[sflag:s31] =	ssyncset.done $0x0  }
0xca: {  	[sflag:s31] =	ssyncadd.s32 $0xFFFFE000  }
0xcb: {  	[spmem:s2] =	stream.indirect.scatter.add.f32 [tilespmem:s22], [sflag:$0x9], $0x40, s21, s20, $0xb8;
	[tilespmem:$0x8A00] =	vst v63  }
0xcc: {  	_ =	swait.ge [sflag:s17], $0x2000  }
0xcd: {  	[sflag:s17] =	ssyncset.done $0x0  }
0xce: {  	[sflag:s17] =	ssyncadd.s32 $0xFFFFE000  }
0xcf: {  	_ =	swait.ge [sflag:s0], $0x80  }
0xd0: {  	[sflag:s0] =	ssyncset.done $0x0  }
0xd1: {  	[sflag:s0] =	ssyncadd.s32 $0xFFFFFF80  }
0xd2: {  	_ =	swait.ge [sflag:s1], $0x2000  }
0xd3: {  	[sflag:s1] =	ssyncset.done $0x0  }
0xd4: {  	[sflag:s1] =	ssyncadd.s32 $0xFFFFE000  }
0xd5: {  	[spmem:s2] =	stream.indirect.scatter.add.f32 [tilespmem:s24], [sflag:$0x9], $0x40, s23, s20, $0xb8;
	[tilespmem:$0x8A00] =	vst v63  }
0xd6: {  	s8 =	stileid.u32;
	s9 =	sshrl.u32 s4, $0x3;
	_ =	swait.ge [sflag:s17], $0x2000  }
0xd7: {  	s12 =	simm.s32 $0x10;
	s7 =	sadd.s32 $0x1, s7;
	[sflag:s17] =	ssyncset.done $0x0  }
0xd8: {  	s8 =	sshll.u32 s8, $0x6;
	p0 =	sne.s32 s7, s14;
	[sflag:s17] =	ssyncadd.s32 $0xFFFFE000  }
.Ltmp2:
0xd9: {  	s8 =	sor.u32 $0x1C09, s8;
	[bflag:$0x0] =	sbarrier.arrive $0xFFFF;
	(pc) =	sbr.rel @p0 .LBB2_1-.Ltmp2, $4  }
0xda: {  	[hbm:s13@s12], [sflag:s8] =	dma.strided [spmem:s9@s5], $0x100, s26, $0x8   }
0xdb: {  	_ =	swait.ge [sflag:s17], $0x100  }
0xdc: {  	[sflag:s17] =	ssyncset.done $0x0  }
0xdd: {  	[sflag:s17] =	ssyncadd.s32 $0xFFFFFF00  }
0xde: {  	_ =	sfence.sel $0x180000  }
0xdf: {  	[bflag:$0x0] =	sbarrier.arrive $0xFFFF  }
0xe0: {  	_ =	strace $0x90000047  }
0xe1: {  	s0 =	stileid.u32;
	[bflag:$0x2] =	sbarrier.arrive $0xFFFF  }
0xe2: {  	p0 =	sne.s32 s0, $0x0;
	s0 =	rddreg [dreg:$0x4]  }
0xe3: {  	s0 =	sadd.s32 @!p0 $0x100000, s0  }
0xe4: {  	[sflag:s0] =	ssyncadd.tile.s32 @!p0 $0x1;
	_ =	shalt  }
.Lfunc_end2:
_tile_overlayer_lowered:
.L_overlay_start_2:
0xe5: {  	(tag) =	ssettag $0x2  }
0xe6: {  	s0 =	rddreg [dreg:$0x0];
	s2 =	stileid.u32  }
0xe7: {  	s1 =	rddreg [dreg:$0x1];
	p0 =	sne.s32 s2, $0x0  }
0xe8: {  	s3 =	rddreg [dreg:$0x2];
	[bflag:$0x3] =	sbarrier.arrive $0xFFFF;
	s2 =	simm.s32 @!p0 $0x1C09  }
0xe9: {  	[timem:s3], [sflag:s2] =	dma.local @!p0 [hbm:s0], s1  }
0xea: {  	s0 =	simm.s32 @!p0 $0x9  }
0xeb: {  	_ =	swait.ge @!p0 [sflag:s0], s1  }
0xec: {  	s1 =	ssub.s32 @!p0 $0x0, s1;
	[sflag:s0] =	ssyncset.done @!p0 $0x0  }
0xed: {  	[sflag:s0] =	ssyncadd.s32 @!p0 s1  }
0xee: {  	[bflag:$0x3] =	sbarrier.arrive $0xFFFF  }
0xef: {  	_ =	shalt  }

</sc_bundles>
